<compile_context>
chip_gen: v7x
topology: tpu7x:2x2x1
jax: 0.10.2.dev20260603
libtpu: 0.0.44.dev20260713+nightly
codegen_flags: <defaults>
</compile_context>

<pallas_src>
import jax
import jax.numpy as jnp
from jax import lax
from jax.experimental import pallas as pl
from jax.experimental.pallas import tpu as pltpu
from jax.experimental.pallas import tpu_sc as plsc

VOCAB1 = 100001
EMBED = 128
HIDDEN = 512
OUT = 128
B = 4096
L = 50

NC = 2
NS = 16
NW = NC * NS
ROWS_PER_W = B // NW
RB = 2
CNT = RB * L
NSTREAM = ROWS_PER_W // RB
NBUF = 4
NLG = EMBED // 16


def _sc_pool_body(x_r, table, out_hbm, idx_v, *scr):
    bufs = scr[0:NBUF]
    gsems = scr[NBUF + 1:2 * NBUF + 1]
    out_v = scr[NBUF]
    wid = lax.axis_index("s") * NC + lax.axis_index("c")

    pltpu.sync_copy(x_r.at[wid], idx_v)

    def gather(s, k):
        return pltpu.async_copy(table.at[idx_v.at[s]], bufs[k], gsems[k])

    for k in range(NBUF):
        gather(k, k)

    def accum(buf):
        def jbody(j, accs):
            new0 = tuple(accs[c] + buf[j, pl.ds(16 * c, 16)]
                         for c in range(NLG))
            new1 = tuple(accs[NLG + c] + buf[j + L, pl.ds(16 * c, 16)]
                         for c in range(NLG))
            return new0 + new1

        init = tuple(jnp.zeros((16,), jnp.float32) for _ in range(2 * NLG))
        return lax.fori_loop(0, L, jbody, init)

    def group_body(g, _):
        for k in range(NBUF):
            s = NBUF * g + k
            pltpu.make_async_copy(
                table.at[idx_v.at[s]], bufs[k], gsems[k]).wait()
            accs = accum(bufs[k])

            row = RB * s
            for c in range(NLG):
                out_v[row, pl.ds(16 * c, 16)] = accs[c]
                out_v[row + 1, pl.ds(16 * c, 16)] = accs[NLG + c]

            @pl.when(g < NSTREAM // NBUF - 1)
            def _():
                gather(s + NBUF, k)

        return 0

    lax.fori_loop(0, NSTREAM // NBUF, group_body, 0)

    pltpu.sync_copy(out_v, out_hbm.at[pl.ds(wid * ROWS_PER_W, ROWS_PER_W)])


def _sc_pool(x_r, table):
    mesh = plsc.VectorSubcoreMesh(core_axis_name="c", subcore_axis_name="s")
    scratch = ([pltpu.VMEM((NSTREAM, CNT), jnp.int32)]
               + [pltpu.VMEM((CNT, EMBED), jnp.float32)] * NBUF
               + [pltpu.VMEM((ROWS_PER_W, EMBED), jnp.float32)]
               + [pltpu.SemaphoreType.DMA] * NBUF)
    return pl.kernel(
        _sc_pool_body,
        out_type=jax.ShapeDtypeStruct((B, EMBED), jnp.float32),
        mesh=mesh,
        scratch_types=scratch,
    )(x_r, table)


BM = 4096


def _mlp_body(p_ref, w1_ref, b1_ref, w2_ref, b2_ref, o_ref):
    h = jnp.dot(p_ref[...] * (1.0 / L), w1_ref[...],
                preferred_element_type=jnp.float32)
    h = jnp.maximum(h + b1_ref[...], 0.0)
    o_ref[...] = jnp.dot(h, w2_ref[...],
                         preferred_element_type=jnp.float32) + b2_ref[...]


def _mlp(pooled_sum, W1, b1, W2, b2):
    return pl.pallas_call(
        _mlp_body,
        grid=(B // BM,),
        in_specs=[
            pl.BlockSpec((BM, EMBED), lambda i: (i, 0)),
            pl.BlockSpec((EMBED, HIDDEN), lambda i: (0, 0)),
            pl.BlockSpec((1, HIDDEN), lambda i: (0, 0)),
            pl.BlockSpec((HIDDEN, OUT), lambda i: (0, 0)),
            pl.BlockSpec((1, OUT), lambda i: (0, 0)),
        ],
        out_specs=pl.BlockSpec((BM, OUT), lambda i: (i, 0)),
        out_shape=jax.ShapeDtypeStruct((B, OUT), jnp.float32),
    )(pooled_sum, W1, b1.reshape(1, HIDDEN), W2, b2.reshape(1, OUT))


@jax.jit
def kernel(x, table, W1, b1, W2, b2):
    x_r = x.astype(jnp.int32).reshape(NW, NSTREAM, CNT)
    pooled_sum = _sc_pool(x_r, table)
    return _mlp(pooled_sum, W1, b1, W2, b2)

# --- scband reference (transcript-rebuilt; emitter-appended) ---
"""Pipeline reference for scband-transaction-classifier-4544075399385 (READ-ONLY COPY).

The authoritative reference and input builder live on the scoring server;
editing this copy changes nothing except your own understanding.
"""

import jax, jax.numpy as jnp
import numpy as np

VOCAB = 100000
EMBED = 128
HIDDEN = 512
OUT = 128
B = 4096
L = 50


def setup_inputs(seed: int = 0) -> dict:
    key = jax.random.key(seed)
    k1, k2, k3, k4, k5, k6 = jax.random.split(key, 6)
    x = jax.random.randint(k1, (B, L), 0, VOCAB + 1, dtype=jnp.int64) if jax.config.read('jax_enable_x64') else jax.random.randint(k1, (B, L), 0, VOCAB + 1, dtype=jnp.int32)
    table = jax.random.normal(k2, (VOCAB + 1, EMBED), dtype=jnp.float32) * 0.02
    table = table.at[0].set(0.0)  # padding_idx=0
    W1 = jax.random.normal(k3, (EMBED, HIDDEN), dtype=jnp.float32) * (1.0 / np.sqrt(EMBED))
    b1 = jnp.zeros((HIDDEN,), dtype=jnp.float32)
    W2 = jax.random.normal(k4, (HIDDEN, OUT), dtype=jnp.float32) * (1.0 / np.sqrt(HIDDEN))
    b2 = jnp.zeros((OUT,), dtype=jnp.float32)
    return {"x": x, "table": table, "W1": W1, "b1": b1, "W2": W2, "b2": b2}


def reference(x, table, W1, b1, W2, b2):
    # embedding lookup (padding row 0 already zeroed in table)
    emb = jnp.take(table, x, axis=0)          # [B, L, EMBED]
    h = jnp.mean(emb, axis=1)                  # [B, EMBED]
    h = jnp.maximum(jnp.dot(h, W1) + b1, 0.0)  # fc1 + relu
    # dropout is identity in eval mode
    out = jnp.dot(h, W2) + b2                  # fc2
    return out

if __name__ == "__main__":
    import jax
    _d = setup_inputs()
    print(jax.jit(kernel)(*tuple(_d.values())))

</pallas_src>

<mosaic_0001>
#map = affine_map<(d0, d1) -> (0, 0, 0)>
#map1 = affine_map<(d0, d1) -> (0, 0)>
module attributes {stable_mosaic.version = 14 : i64} {
  func.func @_sc_pool_body(%arg0: i32, %arg1: i32, %arg2: memref<32x64x100xi32, #tpu.memory_space<hbm>>, %arg3: memref<100001x128xf32, #tpu.memory_space<hbm>>, %arg4: memref<4096x128xf32, #tpu.memory_space<hbm>>, %arg5: memref<64x100xi32, #tpu.memory_space<vmem>>, %arg6: memref<100x128xf32, #tpu.memory_space<vmem>>, %arg7: memref<100x128xf32, #tpu.memory_space<vmem>>, %arg8: memref<100x128xf32, #tpu.memory_space<vmem>>, %arg9: memref<100x128xf32, #tpu.memory_space<vmem>>, %arg10: memref<128x128xf32, #tpu.memory_space<vmem>>, %arg11: memref<!tpu.dma_semaphore, #tpu.memory_space<semaphore_mem>>, %arg12: memref<!tpu.dma_semaphore, #tpu.memory_space<semaphore_mem>>, %arg13: memref<!tpu.dma_semaphore, #tpu.memory_space<semaphore_mem>>, %arg14: memref<!tpu.dma_semaphore, #tpu.memory_space<semaphore_mem>>) attributes {dimension_semantics = [#tpu.dimension_semantics<core_parallel>, #tpu.dimension_semantics<subcore_parallel>], iteration_bounds = array<i64: 2, 16>, scalar_prefetch = 0 : i64, scratch_operands = 10 : i64, tpu.core_type = #tpu.core_type<sc_vector_subcore>, window_params = [{transform_indices = #map}, {transform_indices = #map1}, {transform_indices = #map1}]} {
    %mul3A = arith.constant 2 : i32
    %mul3A_0 = arith.muli %arg1, %mul3A : i32
    %add3A = arith.addi %mul3A_0, %arg0 : i32
    "tpu.region"() ({
      %run_scoped3A = tpu.sem_alloc : memref<!tpu.dma_semaphore, #tpu.memory_space<semaphore_mem>>
      %dma_start3A_36 = arith.constant 0 : i32
      %dma_start3A_37 = arith.constant 0 : i32
      %dma_start3A_38 = tpu.memref_slice %arg2[%add3A, %dma_start3A_36, %dma_start3A_37] : memref<32x64x100xi32, #tpu.memory_space<hbm>> -> memref<1x64x100xi32, #tpu.memory_space<hbm>>
      %dma_start3A_39 = tpu.memref_squeeze %dma_start3A_38 : memref<1x64x100xi32, #tpu.memory_space<hbm>> -> memref<64x100xi32, #tpu.memory_space<hbm>>
      %dma_start3A_40 = arith.constant 0 : i32
      %dma_start3A_41 = arith.constant 0 : i32
      %dma_start3A_42 = tpu.memref_slice %arg2[%add3A, %dma_start3A_40, %dma_start3A_41] : memref<32x64x100xi32, #tpu.memory_space<hbm>> -> memref<1x64x100xi32, #tpu.memory_space<hbm>>
      %dma_start3A_43 = tpu.memref_squeeze %dma_start3A_42 : memref<1x64x100xi32, #tpu.memory_space<hbm>> -> memref<64x100xi32, #tpu.memory_space<hbm>>
      tpu.enqueue_dma source(%dma_start3A_43 : memref<64x100xi32, #tpu.memory_space<hbm>>) target(%arg5 : memref<64x100xi32, #tpu.memory_space<vmem>>) target_semaphore(%run_scoped3A : memref<!tpu.dma_semaphore, #tpu.memory_space<semaphore_mem>>)
      %dma_wait3A = arith.constant 0 : i32
      %dma_wait3A_44 = arith.constant 0 : i32
      %dma_wait3A_45 = tpu.memref_slice %arg2[%add3A, %dma_wait3A, %dma_wait3A_44] : memref<32x64x100xi32, #tpu.memory_space<hbm>> -> memref<1x64x100xi32, #tpu.memory_space<hbm>>
      %dma_wait3A_46 = tpu.memref_squeeze %dma_wait3A_45 : memref<1x64x100xi32, #tpu.memory_space<hbm>> -> memref<64x100xi32, #tpu.memory_space<hbm>>
      %dma_wait3A_47 = arith.constant 0 : i32
      %dma_wait3A_48 = arith.constant 0 : i32
      %dma_wait3A_49 = tpu.memref_slice %arg2[%add3A, %dma_wait3A_47, %dma_wait3A_48] : memref<32x64x100xi32, #tpu.memory_space<hbm>> -> memref<1x64x100xi32, #tpu.memory_space<hbm>>
      %dma_wait3A_50 = tpu.memref_squeeze %dma_wait3A_49 : memref<1x64x100xi32, #tpu.memory_space<hbm>> -> memref<64x100xi32, #tpu.memory_space<hbm>>
      tpu.wait_dma2 semaphore(%run_scoped3A : memref<!tpu.dma_semaphore, #tpu.memory_space<semaphore_mem>>) src(%dma_wait3A_50 : memref<64x100xi32, #tpu.memory_space<hbm>>) dst(%arg5 : memref<64x100xi32, #tpu.memory_space<vmem>>)
      tpu.yield
    }) : () -> ()
    %dma_start3A = arith.constant 0 : i32
    %dma_start3A_1 = arith.constant 0 : i32
    %dma_start3A_2 = tpu.memref_slice %arg5[%dma_start3A, %dma_start3A_1] : memref<64x100xi32, #tpu.memory_space<vmem>> -> memref<1x100xi32, #tpu.memory_space<vmem>>
    %dma_start3A_3 = tpu.memref_squeeze %dma_start3A_2 : memref<1x100xi32, #tpu.memory_space<vmem>> -> memref<100xi32, #tpu.memory_space<vmem>>
    %dma_start3A_4 = arith.constant 0 : i32
    %dma_start3A_5 = arith.constant 0 : i32
    %dma_start3A_6 = tpu.memref_slice %arg3[%dma_start3A_4, %dma_start3A_5] : memref<100001x128xf32, #tpu.memory_space<hbm>> -> memref<100001x128xf32, #tpu.memory_space<hbm>>
    tpu.enqueue_indirect_dma source(%dma_start3A_6 : memref<100001x128xf32, #tpu.memory_space<hbm>>) target(%arg6 : memref<100x128xf32, #tpu.memory_space<vmem>>) offsets(%dma_start3A_3 : memref<100xi32, #tpu.memory_space<vmem>>) semaphore(%arg11 : memref<!tpu.dma_semaphore, #tpu.memory_space<semaphore_mem>>)
    %dma_start3A_7 = arith.constant 1 : i32
    %dma_start3A_8 = arith.constant 0 : i32
    %dma_start3A_9 = tpu.memref_slice %arg5[%dma_start3A_7, %dma_start3A_8] : memref<64x100xi32, #tpu.memory_space<vmem>> -> memref<1x100xi32, #tpu.memory_space<vmem>>
    %dma_start3A_10 = tpu.memref_squeeze %dma_start3A_9 : memref<1x100xi32, #tpu.memory_space<vmem>> -> memref<100xi32, #tpu.memory_space<vmem>>
    %dma_start3A_11 = arith.constant 0 : i32
    %dma_start3A_12 = arith.constant 0 : i32
    %dma_start3A_13 = tpu.memref_slice %arg3[%dma_start3A_11, %dma_start3A_12] : memref<100001x128xf32, #tpu.memory_space<hbm>> -> memref<100001x128xf32, #tpu.memory_space<hbm>>
    tpu.enqueue_indirect_dma source(%dma_start3A_13 : memref<100001x128xf32, #tpu.memory_space<hbm>>) target(%arg7 : memref<100x128xf32, #tpu.memory_space<vmem>>) offsets(%dma_start3A_10 : memref<100xi32, #tpu.memory_space<vmem>>) semaphore(%arg12 : memref<!tpu.dma_semaphore, #tpu.memory_space<semaphore_mem>>)
    %dma_start3A_14 = arith.constant 2 : i32
    %dma_start3A_15 = arith.constant 0 : i32
    %dma_start3A_16 = tpu.memref_slice %arg5[%dma_start3A_14, %dma_start3A_15] : memref<64x100xi32, #tpu.memory_space<vmem>> -> memref<1x100xi32, #tpu.memory_space<vmem>>
    %dma_start3A_17 = tpu.memref_squeeze %dma_start3A_16 : memref<1x100xi32, #tpu.memory_space<vmem>> -> memref<100xi32, #tpu.memory_space<vmem>>
    %dma_start3A_18 = arith.constant 0 : i32
    %dma_start3A_19 = arith.constant 0 : i32
    %dma_start3A_20 = tpu.memref_slice %arg3[%dma_start3A_18, %dma_start3A_19] : memref<100001x128xf32, #tpu.memory_space<hbm>> -> memref<100001x128xf32, #tpu.memory_space<hbm>>
    tpu.enqueue_indirect_dma source(%dma_start3A_20 : memref<100001x128xf32, #tpu.memory_space<hbm>>) target(%arg8 : memref<100x128xf32, #tpu.memory_space<vmem>>) offsets(%dma_start3A_17 : memref<100xi32, #tpu.memory_space<vmem>>) semaphore(%arg13 : memref<!tpu.dma_semaphore, #tpu.memory_space<semaphore_mem>>)
    %dma_start3A_21 = arith.constant 3 : i32
    %dma_start3A_22 = arith.constant 0 : i32
    %dma_start3A_23 = tpu.memref_slice %arg5[%dma_start3A_21, %dma_start3A_22] : memref<64x100xi32, #tpu.memory_space<vmem>> -> memref<1x100xi32, #tpu.memory_space<vmem>>
    %dma_start3A_24 = tpu.memref_squeeze %dma_start3A_23 : memref<1x100xi32, #tpu.memory_space<vmem>> -> memref<100xi32, #tpu.memory_space<vmem>>
    %dma_start3A_25 = arith.constant 0 : i32
    %dma_start3A_26 = arith.constant 0 : i32
    %dma_start3A_27 = tpu.memref_slice %arg3[%dma_start3A_25, %dma_start3A_26] : memref<100001x128xf32, #tpu.memory_space<hbm>> -> memref<100001x128xf32, #tpu.memory_space<hbm>>
    tpu.enqueue_indirect_dma source(%dma_start3A_27 : memref<100001x128xf32, #tpu.memory_space<hbm>>) target(%arg9 : memref<100x128xf32, #tpu.memory_space<vmem>>) offsets(%dma_start3A_24 : memref<100xi32, #tpu.memory_space<vmem>>) semaphore(%arg14 : memref<!tpu.dma_semaphore, #tpu.memory_space<semaphore_mem>>)
    %scan3A = arith.constant 0 : i32
    %scan3A_28 = arith.constant 0 : i32
    %scan3A_29 = arith.constant 16 : i32
    %scan3A_30 = arith.addi %scan3A_28, %scan3A_29 : i32
    %scan3A_31 = arith.constant 1 : i32
    %scan3A_32 = scf.for %scan3A_36 = %scan3A_28 to %scan3A_30 step %scan3A_31 iter_args(%scan3A_37 = %scan3A) -> (i32)  : i32 {
      %mul3A_38 = arith.constant 4 : i32
      %mul3A_39 = arith.muli %mul3A_38, %scan3A_36 : i32
      %add3A_40 = arith.constant 0 : i32
      %add3A_41 = arith.addi %mul3A_39, %add3A_40 : i32
      %dma_wait3A = arith.constant 0 : i32
      %dma_wait3A_42 = tpu.memref_slice %arg5[%add3A_41, %dma_wait3A] : memref<64x100xi32, #tpu.memory_space<vmem>> -> memref<1x100xi32, #tpu.memory_space<vmem>>
      %dma_wait3A_43 = tpu.memref_squeeze %dma_wait3A_42 : memref<1x100xi32, #tpu.memory_space<vmem>> -> memref<100xi32, #tpu.memory_space<vmem>>
      %dma_wait3A_44 = arith.constant 0 : i32
      %dma_wait3A_45 = arith.constant 0 : i32
      %dma_wait3A_46 = tpu.memref_slice %arg3[%dma_wait3A_44, %dma_wait3A_45] : memref<100001x128xf32, #tpu.memory_space<hbm>> -> memref<100001x128xf32, #tpu.memory_space<hbm>>
      tpu.wait_indirect_dma semaphore(%arg11 : memref<!tpu.dma_semaphore, #tpu.memory_space<semaphore_mem>>) src(%dma_wait3A_46 : memref<100001x128xf32, #tpu.memory_space<hbm>>) dst(%arg6 : memref<100x128xf32, #tpu.memory_space<vmem>>)
      %broadcast_in_dim3A = arith.constant 0.000000e+00 : f32
      %broadcast_in_dim3A_47 = vector.broadcast %broadcast_in_dim3A : f32 to vector<16xf32>
      %broadcast_in_dim3A_48 = arith.constant 0.000000e+00 : f32
      %broadcast_in_dim3A_49 = vector.broadcast %broadcast_in_dim3A_48 : f32 to vector<16xf32>
      %broadcast_in_dim3A_50 = arith.constant 0.000000e+00 : f32
      %broadcast_in_dim3A_51 = vector.broadcast %broadcast_in_dim3A_50 : f32 to vector<16xf32>
      %broadcast_in_dim3A_52 = arith.constant 0.000000e+00 : f32
      %broadcast_in_dim3A_53 = vector.broadcast %broadcast_in_dim3A_52 : f32 to vector<16xf32>
      %broadcast_in_dim3A_54 = arith.constant 0.000000e+00 : f32
      %broadcast_in_dim3A_55 = vector.broadcast %broadcast_in_dim3A_54 : f32 to vector<16xf32>
      %broadcast_in_dim3A_56 = arith.constant 0.000000e+00 : f32
      %broadcast_in_dim3A_57 = vector.broadcast %broadcast_in_dim3A_56 : f32 to vector<16xf32>
      %broadcast_in_dim3A_58 = arith.constant 0.000000e+00 : f32
      %broadcast_in_dim3A_59 = vector.broadcast %broadcast_in_dim3A_58 : f32 to vector<16xf32>
      %broadcast_in_dim3A_60 = arith.constant 0.000000e+00 : f32
      %broadcast_in_dim3A_61 = vector.broadcast %broadcast_in_dim3A_60 : f32 to vector<16xf32>
      %broadcast_in_dim3A_62 = arith.constant 0.000000e+00 : f32
      %broadcast_in_dim3A_63 = vector.broadcast %broadcast_in_dim3A_62 : f32 to vector<16xf32>
      %broadcast_in_dim3A_64 = arith.constant 0.000000e+00 : f32
      %broadcast_in_dim3A_65 = vector.broadcast %broadcast_in_dim3A_64 : f32 to vector<16xf32>
      %broadcast_in_dim3A_66 = arith.constant 0.000000e+00 : f32
      %broadcast_in_dim3A_67 = vector.broadcast %broadcast_in_dim3A_66 : f32 to vector<16xf32>
      %broadcast_in_dim3A_68 = arith.constant 0.000000e+00 : f32
      %broadcast_in_dim3A_69 = vector.broadcast %broadcast_in_dim3A_68 : f32 to vector<16xf32>
      %broadcast_in_dim3A_70 = arith.constant 0.000000e+00 : f32
      %broadcast_in_dim3A_71 = vector.broadcast %broadcast_in_dim3A_70 : f32 to vector<16xf32>
      %broadcast_in_dim3A_72 = arith.constant 0.000000e+00 : f32
      %broadcast_in_dim3A_73 = vector.broadcast %broadcast_in_dim3A_72 : f32 to vector<16xf32>
      %broadcast_in_dim3A_74 = arith.constant 0.000000e+00 : f32
      %broadcast_in_dim3A_75 = vector.broadcast %broadcast_in_dim3A_74 : f32 to vector<16xf32>
      %broadcast_in_dim3A_76 = arith.constant 0.000000e+00 : f32
      %broadcast_in_dim3A_77 = vector.broadcast %broadcast_in_dim3A_76 : f32 to vector<16xf32>
      %scan3A_78 = arith.constant 0 : i32
      %scan3A_79 = arith.constant 50 : i32
      %scan3A_80 = arith.addi %scan3A_78, %scan3A_79 : i32
      %scan3A_81 = arith.constant 1 : i32
      %scan3A_82:16 = scf.for %scan3A_637 = %scan3A_78 to %scan3A_80 step %scan3A_81 iter_args(%scan3A_638 = %broadcast_in_dim3A_47, %scan3A_639 = %broadcast_in_dim3A_49, %scan3A_640 = %broadcast_in_dim3A_51, %scan3A_641 = %broadcast_in_dim3A_53, %scan3A_642 = %broadcast_in_dim3A_55, %scan3A_643 = %broadcast_in_dim3A_57, %scan3A_644 = %broadcast_in_dim3A_59, %scan3A_645 = %broadcast_in_dim3A_61, %scan3A_646 = %broadcast_in_dim3A_63, %scan3A_647 = %broadcast_in_dim3A_65, %scan3A_648 = %broadcast_in_dim3A_67, %scan3A_649 = %broadcast_in_dim3A_69, %scan3A_650 = %broadcast_in_dim3A_71, %scan3A_651 = %broadcast_in_dim3A_73, %scan3A_652 = %broadcast_in_dim3A_75, %scan3A_653 = %broadcast_in_dim3A_77) -> (vector<16xf32>, vector<16xf32>, vector<16xf32>, vector<16xf32>, vector<16xf32>, vector<16xf32>, vector<16xf32>, vector<16xf32>, vector<16xf32>, vector<16xf32>, vector<16xf32>, vector<16xf32>, vector<16xf32>, vector<16xf32>, vector<16xf32>, vector<16xf32>)  : i32 {
        %get3A = arith.index_cast %scan3A_637 : i32 to index
        %get3A_654 = arith.constant 0 : index
        %get3A_655 = tpu.vector_load %arg6[%get3A, %get3A_654] {strides = array<i32>} : memref<100x128xf32, #tpu.memory_space<vmem>>, vector<1x16xf32>,
        %get3A_656 = vector.shape_cast %get3A_655 : vector<1x16xf32> to vector<16xf32>
        %add3A_657 = arith.addf %scan3A_638, %get3A_656 : vector<16xf32>
        %get3A_658 = arith.index_cast %scan3A_637 : i32 to index
        %get3A_659 = arith.constant 16 : index
        %get3A_660 = tpu.vector_load %arg6[%get3A_658, %get3A_659] {strides = array<i32>} : memref<100x128xf32, #tpu.memory_space<vmem>>, vector<1x16xf32>,
        %get3A_661 = vector.shape_cast %get3A_660 : vector<1x16xf32> to vector<16xf32>
        %add3A_662 = arith.addf %scan3A_639, %get3A_661 : vector<16xf32>
        %get3A_663 = arith.index_cast %scan3A_637 : i32 to index
        %get3A_664 = arith.constant 32 : index
        %get3A_665 = tpu.vector_load %arg6[%get3A_663, %get3A_664] {strides = array<i32>} : memref<100x128xf32, #tpu.memory_space<vmem>>, vector<1x16xf32>,
        %get3A_666 = vector.shape_cast %get3A_665 : vector<1x16xf32> to vector<16xf32>
        %add3A_667 = arith.addf %scan3A_640, %get3A_666 : vector<16xf32>
        %get3A_668 = arith.index_cast %scan3A_637 : i32 to index
        %get3A_669 = arith.constant 48 : index
        %get3A_670 = tpu.vector_load %arg6[%get3A_668, %get3A_669] {strides = array<i32>} : memref<100x128xf32, #tpu.memory_space<vmem>>, vector<1x16xf32>,
        %get3A_671 = vector.shape_cast %get3A_670 : vector<1x16xf32> to vector<16xf32>
        %add3A_672 = arith.addf %scan3A_641, %get3A_671 : vector<16xf32>
        %get3A_673 = arith.index_cast %scan3A_637 : i32 to index
        %get3A_674 = arith.constant 64 : index
        %get3A_675 = tpu.vector_load %arg6[%get3A_673, %get3A_674] {strides = array<i32>} : memref<100x128xf32, #tpu.memory_space<vmem>>, vector<1x16xf32>,
        %get3A_676 = vector.shape_cast %get3A_675 : vector<1x16xf32> to vector<16xf32>
        %add3A_677 = arith.addf %scan3A_642, %get3A_676 : vector<16xf32>
        %get3A_678 = arith.index_cast %scan3A_637 : i32 to index
        %get3A_679 = arith.constant 80 : index
        %get3A_680 = tpu.vector_load %arg6[%get3A_678, %get3A_679] {strides = array<i32>} : memref<100x128xf32, #tpu.memory_space<vmem>>, vector<1x16xf32>,
        %get3A_681 = vector.shape_cast %get3A_680 : vector<1x16xf32> to vector<16xf32>
        %add3A_682 = arith.addf %scan3A_643, %get3A_681 : vector<16xf32>
        %get3A_683 = arith.index_cast %scan3A_637 : i32 to index
        %get3A_684 = arith.constant 96 : index
        %get3A_685 = tpu.vector_load %arg6[%get3A_683, %get3A_684] {strides = array<i32>} : memref<100x128xf32, #tpu.memory_space<vmem>>, vector<1x16xf32>,
        %get3A_686 = vector.shape_cast %get3A_685 : vector<1x16xf32> to vector<16xf32>
        %add3A_687 = arith.addf %scan3A_644, %get3A_686 : vector<16xf32>
        %get3A_688 = arith.index_cast %scan3A_637 : i32 to index
        %get3A_689 = arith.constant 112 : index
        %get3A_690 = tpu.vector_load %arg6[%get3A_688, %get3A_689] {strides = array<i32>} : memref<100x128xf32, #tpu.memory_space<vmem>>, vector<1x16xf32>,
        %get3A_691 = vector.shape_cast %get3A_690 : vector<1x16xf32> to vector<16xf32>
        %add3A_692 = arith.addf %scan3A_645, %get3A_691 : vector<16xf32>
        %add3A_693 = arith.constant 50 : i32
        %add3A_694 = arith.addi %scan3A_637, %add3A_693 : i32
        %get3A_695 = arith.index_cast %add3A_694 : i32 to index
        %get3A_696 = arith.constant 0 : index
        %get3A_697 = tpu.vector_load %arg6[%get3A_695, %get3A_696] {strides = array<i32>} : memref<100x128xf32, #tpu.memory_space<vmem>>, vector<1x16xf32>,
        %get3A_698 = vector.shape_cast %get3A_697 : vector<1x16xf32> to vector<16xf32>
        %add3A_699 = arith.addf %scan3A_646, %get3A_698 : vector<16xf32>
        %add3A_700 = arith.constant 50 : i32
        %add3A_701 = arith.addi %scan3A_637, %add3A_700 : i32
        %get3A_702 = arith.index_cast %add3A_701 : i32 to index
        %get3A_703 = arith.constant 16 : index
        %get3A_704 = tpu.vector_load %arg6[%get3A_702, %get3A_703] {strides = array<i32>} : memref<100x128xf32, #tpu.memory_space<vmem>>, vector<1x16xf32>,
        %get3A_705 = vector.shape_cast %get3A_704 : vector<1x16xf32> to vector<16xf32>
        %add3A_706 = arith.addf %scan3A_647, %get3A_705 : vector<16xf32>
        %add3A_707 = arith.constant 50 : i32
        %add3A_708 = arith.addi %scan3A_637, %add3A_707 : i32
        %get3A_709 = arith.index_cast %add3A_708 : i32 to index
        %get3A_710 = arith.constant 32 : index
        %get3A_711 = tpu.vector_load %arg6[%get3A_709, %get3A_710] {strides = array<i32>} : memref<100x128xf32, #tpu.memory_space<vmem>>, vector<1x16xf32>,
        %get3A_712 = vector.shape_cast %get3A_711 : vector<1x16xf32> to vector<16xf32>
        %add3A_713 = arith.addf %scan3A_648, %get3A_712 : vector<16xf32>
        %add3A_714 = arith.constant 50 : i32
        %add3A_715 = arith.addi %scan3A_637, %add3A_714 : i32
        %get3A_716 = arith.index_cast %add3A_715 : i32 to index
        %get3A_717 = arith.constant 48 : index
        %get3A_718 = tpu.vector_load %arg6[%get3A_716, %get3A_717] {strides = array<i32>} : memref<100x128xf32, #tpu.memory_space<vmem>>, vector<1x16xf32>,
        %get3A_719 = vector.shape_cast %get3A_718 : vector<1x16xf32> to vector<16xf32>
        %add3A_720 = arith.addf %scan3A_649, %get3A_719 : vector<16xf32>
        %add3A_721 = arith.constant 50 : i32
        %add3A_722 = arith.addi %scan3A_637, %add3A_721 : i32
        %get3A_723 = arith.index_cast %add3A_722 : i32 to index
        %get3A_724 = arith.constant 64 : index
        %get3A_725 = tpu.vector_load %arg6[%get3A_723, %get3A_724] {strides = array<i32>} : memref<100x128xf32, #tpu.memory_space<vmem>>, vector<1x16xf32>,
        %get3A_726 = vector.shape_cast %get3A_725 : vector<1x16xf32> to vector<16xf32>
        %add3A_727 = arith.addf %scan3A_650, %get3A_726 : vector<16xf32>
        %add3A_728 = arith.constant 50 : i32
        %add3A_729 = arith.addi %scan3A_637, %add3A_728 : i32
        %get3A_730 = arith.index_cast %add3A_729 : i32 to index
        %get3A_731 = arith.constant 80 : index
        %get3A_732 = tpu.vector_load %arg6[%get3A_730, %get3A_731] {strides = array<i32>} : memref<100x128xf32, #tpu.memory_space<vmem>>, vector<1x16xf32>,
        %get3A_733 = vector.shape_cast %get3A_732 : vector<1x16xf32> to vector<16xf32>
        %add3A_734 = arith.addf %scan3A_651, %get3A_733 : vector<16xf32>
        %add3A_735 = arith.constant 50 : i32
        %add3A_736 = arith.addi %scan3A_637, %add3A_735 : i32
        %get3A_737 = arith.index_cast %add3A_736 : i32 to index
        %get3A_738 = arith.constant 96 : index
        %get3A_739 = tpu.vector_load %arg6[%get3A_737, %get3A_738] {strides = array<i32>} : memref<100x128xf32, #tpu.memory_space<vmem>>, vector<1x16xf32>,
        %get3A_740 = vector.shape_cast %get3A_739 : vector<1x16xf32> to vector<16xf32>
        %add3A_741 = arith.addf %scan3A_652, %get3A_740 : vector<16xf32>
        %add3A_742 = arith.constant 50 : i32
        %add3A_743 = arith.addi %scan3A_637, %add3A_742 : i32
        %get3A_744 = arith.index_cast %add3A_743 : i32 to index
        %get3A_745 = arith.constant 112 : index
        %get3A_746 = tpu.vector_load %arg6[%get3A_744, %get3A_745] {strides = array<i32>} : memref<100x128xf32, #tpu.memory_space<vmem>>, vector<1x16xf32>,
        %get3A_747 = vector.shape_cast %get3A_746 : vector<1x16xf32> to vector<16xf32>
        %add3A_748 = arith.addf %scan3A_653, %get3A_747 : vector<16xf32>
        scf.yield %add3A_657, %add3A_662, %add3A_667, %add3A_672, %add3A_677, %add3A_682, %add3A_687, %add3A_692, %add3A_699, %add3A_706, %add3A_713, %add3A_720, %add3A_727, %add3A_734, %add3A_741, %add3A_748 : vector<16xf32>, vector<16xf32>, vector<16xf32>, vector<16xf32>, vector<16xf32>, vector<16xf32>, vector<16xf32>, vector<16xf32>, vector<16xf32>, vector<16xf32>, vector<16xf32>, vector<16xf32>, vector<16xf32>, vector<16xf32>, vector<16xf32>, vector<16xf32>
      }
      %scan3A_83 = arith.constant 50 : i32
      %mul3A_84 = arith.constant 2 : i32
      %mul3A_85 = arith.muli %mul3A_84, %add3A_41 : i32
      %swap3A = arith.index_cast %mul3A_85 : i32 to index
      %swap3A_86 = arith.constant 0 : index
      %swap3A_87 = tpu.vector_load %arg10[%swap3A, %swap3A_86] {strides = array<i32>} : memref<128x128xf32, #tpu.memory_space<vmem>>, vector<1x16xf32>,
      %swap3A_88 = vector.shape_cast %swap3A_87 : vector<1x16xf32> to vector<16xf32>
      %swap3A_89 = vector.shape_cast %scan3A_82#0 : vector<16xf32> to vector<1x16xf32>
      tpu.vector_store %arg10[%swap3A, %swap3A_86], %swap3A_89 {strides = array<i32>} : memref<128x128xf32, #tpu.memory_space<vmem>>, vector<1x16xf32>,
      %add3A_90 = arith.constant 1 : i32
      %add3A_91 = arith.addi %mul3A_85, %add3A_90 : i32
      %swap3A_92 = arith.index_cast %add3A_91 : i32 to index
      %swap3A_93 = arith.constant 0 : index
      %swap3A_94 = tpu.vector_load %arg10[%swap3A_92, %swap3A_93] {strides = array<i32>} : memref<128x128xf32, #tpu.memory_space<vmem>>, vector<1x16xf32>,
      %swap3A_95 = vector.shape_cast %swap3A_94 : vector<1x16xf32> to vector<16xf32>
      %swap3A_96 = vector.shape_cast %scan3A_82#8 : vector<16xf32> to vector<1x16xf32>
      tpu.vector_store %arg10[%swap3A_92, %swap3A_93], %swap3A_96 {strides = array<i32>} : memref<128x128xf32, #tpu.memory_space<vmem>>, vector<1x16xf32>,
      %swap3A_97 = arith.index_cast %mul3A_85 : i32 to index
      %swap3A_98 = arith.constant 16 : index
      %swap3A_99 = tpu.vector_load %arg10[%swap3A_97, %swap3A_98] {strides = array<i32>} : memref<128x128xf32, #tpu.memory_space<vmem>>, vector<1x16xf32>,
      %swap3A_100 = vector.shape_cast %swap3A_99 : vector<1x16xf32> to vector<16xf32>
      %swap3A_101 = vector.shape_cast %scan3A_82#1 : vector<16xf32> to vector<1x16xf32>
      tpu.vector_store %arg10[%swap3A_97, %swap3A_98], %swap3A_101 {strides = array<i32>} : memref<128x128xf32, #tpu.memory_space<vmem>>, vector<1x16xf32>,
      %add3A_102 = arith.constant 1 : i32
      %add3A_103 = arith.addi %mul3A_85, %add3A_102 : i32
      %swap3A_104 = arith.index_cast %add3A_103 : i32 to index
      %swap3A_105 = arith.constant 16 : index
      %swap3A_106 = tpu.vector_load %arg10[%swap3A_104, %swap3A_105] {strides = array<i32>} : memref<128x128xf32, #tpu.memory_space<vmem>>, vector<1x16xf32>,
      %swap3A_107 = vector.shape_cast %swap3A_106 : vector<1x16xf32> to vector<16xf32>
      %swap3A_108 = vector.shape_cast %scan3A_82#9 : vector<16xf32> to vector<1x16xf32>
      tpu.vector_store %arg10[%swap3A_104, %swap3A_105], %swap3A_108 {strides = array<i32>} : memref<128x128xf32, #tpu.memory_space<vmem>>, vector<1x16xf32>,
      %swap3A_109 = arith.index_cast %mul3A_85 : i32 to index
      %swap3A_110 = arith.constant 32 : index
      %swap3A_111 = tpu.vector_load %arg10[%swap3A_109, %swap3A_110] {strides = array<i32>} : memref<128x128xf32, #tpu.memory_space<vmem>>, vector<1x16xf32>,
      %swap3A_112 = vector.shape_cast %swap3A_111 : vector<1x16xf32> to vector<16xf32>
      %swap3A_113 = vector.shape_cast %scan3A_82#2 : vector<16xf32> to vector<1x16xf32>
      tpu.vector_store %arg10[%swap3A_109, %swap3A_110], %swap3A_113 {strides = array<i32>} : memref<128x128xf32, #tpu.memory_space<vmem>>, vector<1x16xf32>,
      %add3A_114 = arith.constant 1 : i32
      %add3A_115 = arith.addi %mul3A_85, %add3A_114 : i32
      %swap3A_116 = arith.index_cast %add3A_115 : i32 to index
      %swap3A_117 = arith.constant 32 : index
      %swap3A_118 = tpu.vector_load %arg10[%swap3A_116, %swap3A_117] {strides = array<i32>} : memref<128x128xf32, #tpu.memory_space<vmem>>, vector<1x16xf32>,
      %swap3A_119 = vector.shape_cast %swap3A_118 : vector<1x16xf32> to vector<16xf32>
      %swap3A_120 = vector.shape_cast %scan3A_82#10 : vector<16xf32> to vector<1x16xf32>
      tpu.vector_store %arg10[%swap3A_116, %swap3A_117], %swap3A_120 {strides = array<i32>} : memref<128x128xf32, #tpu.memory_space<vmem>>, vector<1x16xf32>,
      %swap3A_121 = arith.index_cast %mul3A_85 : i32 to index
      %swap3A_122 = arith.constant 48 : index
      %swap3A_123 = tpu.vector_load %arg10[%swap3A_121, %swap3A_122] {strides = array<i32>} : memref<128x128xf32, #tpu.memory_space<vmem>>, vector<1x16xf32>,
      %swap3A_124 = vector.shape_cast %swap3A_123 : vector<1x16xf32> to vector<16xf32>
      %swap3A_125 = vector.shape_cast %scan3A_82#3 : vector<16xf32> to vector<1x16xf32>
      tpu.vector_store %arg10[%swap3A_121, %swap3A_122], %swap3A_125 {strides = array<i32>} : memref<128x128xf32, #tpu.memory_space<vmem>>, vector<1x16xf32>,
      %add3A_126 = arith.constant 1 : i32
      %add3A_127 = arith.addi %mul3A_85, %add3A_126 : i32
      %swap3A_128 = arith.index_cast %add3A_127 : i32 to index
      %swap3A_129 = arith.constant 48 : index
      %swap3A_130 = tpu.vector_load %arg10[%swap3A_128, %swap3A_129] {strides = array<i32>} : memref<128x128xf32, #tpu.memory_space<vmem>>, vector<1x16xf32>,
      %swap3A_131 = vector.shape_cast %swap3A_130 : vector<1x16xf32> to vector<16xf32>
      %swap3A_132 = vector.shape_cast %scan3A_82#11 : vector<16xf32> to vector<1x16xf32>
      tpu.vector_store %arg10[%swap3A_128, %swap3A_129], %swap3A_132 {strides = array<i32>} : memref<128x128xf32, #tpu.memory_space<vmem>>, vector<1x16xf32>,
      %swap3A_133 = arith.index_cast %mul3A_85 : i32 to index
      %swap3A_134 = arith.constant 64 : index
      %swap3A_135 = tpu.vector_load %arg10[%swap3A_133, %swap3A_134] {strides = array<i32>} : memref<128x128xf32, #tpu.memory_space<vmem>>, vector<1x16xf32>,
      %swap3A_136 = vector.shape_cast %swap3A_135 : vector<1x16xf32> to vector<16xf32>
      %swap3A_137 = vector.shape_cast %scan3A_82#4 : vector<16xf32> to vector<1x16xf32>
      tpu.vector_store %arg10[%swap3A_133, %swap3A_134], %swap3A_137 {strides = array<i32>} : memref<128x128xf32, #tpu.memory_space<vmem>>, vector<1x16xf32>,
      %add3A_138 = arith.constant 1 : i32
      %add3A_139 = arith.addi %mul3A_85, %add3A_138 : i32
      %swap3A_140 = arith.index_cast %add3A_139 : i32 to index
      %swap3A_141 = arith.constant 64 : index
      %swap3A_142 = tpu.vector_load %arg10[%swap3A_140, %swap3A_141] {strides = array<i32>} : memref<128x128xf32, #tpu.memory_space<vmem>>, vector<1x16xf32>,
      %swap3A_143 = vector.shape_cast %swap3A_142 : vector<1x16xf32> to vector<16xf32>
      %swap3A_144 = vector.shape_cast %scan3A_82#12 : vector<16xf32> to vector<1x16xf32>
      tpu.vector_store %arg10[%swap3A_140, %swap3A_141], %swap3A_144 {strides = array<i32>} : memref<128x128xf32, #tpu.memory_space<vmem>>, vector<1x16xf32>,
      %swap3A_145 = arith.index_cast %mul3A_85 : i32 to index
      %swap3A_146 = arith.constant 80 : index
      %swap3A_147 = tpu.vector_load %arg10[%swap3A_145, %swap3A_146] {strides = array<i32>} : memref<128x128xf32, #tpu.memory_space<vmem>>, vector<1x16xf32>,
      %swap3A_148 = vector.shape_cast %swap3A_147 : vector<1x16xf32> to vector<16xf32>
      %swap3A_149 = vector.shape_cast %scan3A_82#5 : vector<16xf32> to vector<1x16xf32>
      tpu.vector_store %arg10[%swap3A_145, %swap3A_146], %swap3A_149 {strides = array<i32>} : memref<128x128xf32, #tpu.memory_space<vmem>>, vector<1x16xf32>,
      %add3A_150 = arith.constant 1 : i32
      %add3A_151 = arith.addi %mul3A_85, %add3A_150 : i32
      %swap3A_152 = arith.index_cast %add3A_151 : i32 to index
      %swap3A_153 = arith.constant 80 : index
      %swap3A_154 = tpu.vector_load %arg10[%swap3A_152, %swap3A_153] {strides = array<i32>} : memref<128x128xf32, #tpu.memory_space<vmem>>, vector<1x16xf32>,
      %swap3A_155 = vector.shape_cast %swap3A_154 : vector<1x16xf32> to vector<16xf32>
      %swap3A_156 = vector.shape_cast %scan3A_82#13 : vector<16xf32> to vector<1x16xf32>
      tpu.vector_store %arg10[%swap3A_152, %swap3A_153], %swap3A_156 {strides = array<i32>} : memref<128x128xf32, #tpu.memory_space<vmem>>, vector<1x16xf32>,
      %swap3A_157 = arith.index_cast %mul3A_85 : i32 to index
      %swap3A_158 = arith.constant 96 : index
      %swap3A_159 = tpu.vector_load %arg10[%swap3A_157, %swap3A_158] {strides = array<i32>} : memref<128x128xf32, #tpu.memory_space<vmem>>, vector<1x16xf32>,
      %swap3A_160 = vector.shape_cast %swap3A_159 : vector<1x16xf32> to vector<16xf32>
      %swap3A_161 = vector.shape_cast %scan3A_82#6 : vector<16xf32> to vector<1x16xf32>
      tpu.vector_store %arg10[%swap3A_157, %swap3A_158], %swap3A_161 {strides = array<i32>} : memref<128x128xf32, #tpu.memory_space<vmem>>, vector<1x16xf32>,
      %add3A_162 = arith.constant 1 : i32
      %add3A_163 = arith.addi %mul3A_85, %add3A_162 : i32
      %swap3A_164 = arith.index_cast %add3A_163 : i32 to index
      %swap3A_165 = arith.constant 96 : index
      %swap3A_166 = tpu.vector_load %arg10[%swap3A_164, %swap3A_165] {strides = array<i32>} : memref<128x128xf32, #tpu.memory_space<vmem>>, vector<1x16xf32>,
      %swap3A_167 = vector.shape_cast %swap3A_166 : vector<1x16xf32> to vector<16xf32>
      %swap3A_168 = vector.shape_cast %scan3A_82#14 : vector<16xf32> to vector<1x16xf32>
      tpu.vector_store %arg10[%swap3A_164, %swap3A_165], %swap3A_168 {strides = array<i32>} : memref<128x128xf32, #tpu.memory_space<vmem>>, vector<1x16xf32>,
      %swap3A_169 = arith.index_cast %mul3A_85 : i32 to index
      %swap3A_170 = arith.constant 112 : index
      %swap3A_171 = tpu.vector_load %arg10[%swap3A_169, %swap3A_170] {strides = array<i32>} : memref<128x128xf32, #tpu.memory_space<vmem>>, vector<1x16xf32>,
      %swap3A_172 = vector.shape_cast %swap3A_171 : vector<1x16xf32> to vector<16xf32>
      %swap3A_173 = vector.shape_cast %scan3A_82#7 : vector<16xf32> to vector<1x16xf32>
      tpu.vector_store %arg10[%swap3A_169, %swap3A_170], %swap3A_173 {strides = array<i32>} : memref<128x128xf32, #tpu.memory_space<vmem>>, vector<1x16xf32>,
      %add3A_174 = arith.constant 1 : i32
      %add3A_175 = arith.addi %mul3A_85, %add3A_174 : i32
      %swap3A_176 = arith.index_cast %add3A_175 : i32 to index
      %swap3A_177 = arith.constant 112 : index
      %swap3A_178 = tpu.vector_load %arg10[%swap3A_176, %swap3A_177] {strides = array<i32>} : memref<128x128xf32, #tpu.memory_space<vmem>>, vector<1x16xf32>,
      %swap3A_179 = vector.shape_cast %swap3A_178 : vector<1x16xf32> to vector<16xf32>
      %swap3A_180 = vector.shape_cast %scan3A_82#15 : vector<16xf32> to vector<1x16xf32>
      tpu.vector_store %arg10[%swap3A_176, %swap3A_177], %swap3A_180 {strides = array<i32>} : memref<128x128xf32, #tpu.memory_space<vmem>>, vector<1x16xf32>,
      %lt3A = arith.constant 15 : i32
      %lt3A_181 = arith.cmpi slt, %scan3A_36, %lt3A : i32
      %convert_element_type3A = arith.extui %lt3A_181 : i1 to i32
      %cond3A = arith.constant 0 : i32
      %cond3A_182 = arith.cmpi ne, %convert_element_type3A, %cond3A : i32
      scf.if %cond3A_182 {
        %add3A_637 = arith.constant 4 : i32
        %add3A_638 = arith.addi %add3A_41, %add3A_637 : i32
        %dma_start3A_639 = arith.constant 0 : i32
        %dma_start3A_640 = tpu.memref_slice %arg5[%add3A_638, %dma_start3A_639] : memref<64x100xi32, #tpu.memory_space<vmem>> -> memref<1x100xi32, #tpu.memory_space<vmem>>
        %dma_start3A_641 = tpu.memref_squeeze %dma_start3A_640 : memref<1x100xi32, #tpu.memory_space<vmem>> -> memref<100xi32, #tpu.memory_space<vmem>>
        %dma_start3A_642 = arith.constant 0 : i32
        %dma_start3A_643 = arith.constant 0 : i32
        %dma_start3A_644 = tpu.memref_slice %arg3[%dma_start3A_642, %dma_start3A_643] : memref<100001x128xf32, #tpu.memory_space<hbm>> -> memref<100001x128xf32, #tpu.memory_space<hbm>>
        tpu.enqueue_indirect_dma source(%dma_start3A_644 : memref<100001x128xf32, #tpu.memory_space<hbm>>) target(%arg6 : memref<100x128xf32, #tpu.memory_space<vmem>>) offsets(%dma_start3A_641 : memref<100xi32, #tpu.memory_space<vmem>>) semaphore(%arg11 : memref<!tpu.dma_semaphore, #tpu.memory_space<semaphore_mem>>)
      } else {
      }
      %mul3A_183 = arith.constant 4 : i32
      %mul3A_184 = arith.muli %mul3A_183, %scan3A_36 : i32
      %add3A_185 = arith.constant 1 : i32
      %add3A_186 = arith.addi %mul3A_184, %add3A_185 : i32
      %dma_wait3A_187 = arith.constant 0 : i32
      %dma_wait3A_188 = tpu.memref_slice %arg5[%add3A_186, %dma_wait3A_187] : memref<64x100xi32, #tpu.memory_space<vmem>> -> memref<1x100xi32, #tpu.memory_space<vmem>>
      %dma_wait3A_189 = tpu.memref_squeeze %dma_wait3A_188 : memref<1x100xi32, #tpu.memory_space<vmem>> -> memref<100xi32, #tpu.memory_space<vmem>>
      %dma_wait3A_190 = arith.constant 0 : i32
      %dma_wait3A_191 = arith.constant 0 : i32
      %dma_wait3A_192 = tpu.memref_slice %arg3[%dma_wait3A_190, %dma_wait3A_191] : memref<100001x128xf32, #tpu.memory_space<hbm>> -> memref<100001x128xf32, #tpu.memory_space<hbm>>
      tpu.wait_indirect_dma semaphore(%arg12 : memref<!tpu.dma_semaphore, #tpu.memory_space<semaphore_mem>>) src(%dma_wait3A_192 : memref<100001x128xf32, #tpu.memory_space<hbm>>) dst(%arg7 : memref<100x128xf32, #tpu.memory_space<vmem>>)
      %broadcast_in_dim3A_193 = arith.constant 0.000000e+00 : f32
      %broadcast_in_dim3A_194 = vector.broadcast %broadcast_in_dim3A_193 : f32 to vector<16xf32>
      %broadcast_in_dim3A_195 = arith.constant 0.000000e+00 : f32
      %broadcast_in_dim3A_196 = vector.broadcast %broadcast_in_dim3A_195 : f32 to vector<16xf32>
      %broadcast_in_dim3A_197 = arith.constant 0.000000e+00 : f32
      %broadcast_in_dim3A_198 = vector.broadcast %broadcast_in_dim3A_197 : f32 to vector<16xf32>
      %broadcast_in_dim3A_199 = arith.constant 0.000000e+00 : f32
      %broadcast_in_dim3A_200 = vector.broadcast %broadcast_in_dim3A_199 : f32 to vector<16xf32>
      %broadcast_in_dim3A_201 = arith.constant 0.000000e+00 : f32
      %broadcast_in_dim3A_202 = vector.broadcast %broadcast_in_dim3A_201 : f32 to vector<16xf32>
      %broadcast_in_dim3A_203 = arith.constant 0.000000e+00 : f32
      %broadcast_in_dim3A_204 = vector.broadcast %broadcast_in_dim3A_203 : f32 to vector<16xf32>
      %broadcast_in_dim3A_205 = arith.constant 0.000000e+00 : f32
      %broadcast_in_dim3A_206 = vector.broadcast %broadcast_in_dim3A_205 : f32 to vector<16xf32>
      %broadcast_in_dim3A_207 = arith.constant 0.000000e+00 : f32
      %broadcast_in_dim3A_208 = vector.broadcast %broadcast_in_dim3A_207 : f32 to vector<16xf32>
      %broadcast_in_dim3A_209 = arith.constant 0.000000e+00 : f32
      %broadcast_in_dim3A_210 = vector.broadcast %broadcast_in_dim3A_209 : f32 to vector<16xf32>
      %broadcast_in_dim3A_211 = arith.constant 0.000000e+00 : f32
      %broadcast_in_dim3A_212 = vector.broadcast %broadcast_in_dim3A_211 : f32 to vector<16xf32>
      %broadcast_in_dim3A_213 = arith.constant 0.000000e+00 : f32
      %broadcast_in_dim3A_214 = vector.broadcast %broadcast_in_dim3A_213 : f32 to vector<16xf32>
      %broadcast_in_dim3A_215 = arith.constant 0.000000e+00 : f32
      %broadcast_in_dim3A_216 = vector.broadcast %broadcast_in_dim3A_215 : f32 to vector<16xf32>
      %broadcast_in_dim3A_217 = arith.constant 0.000000e+00 : f32
      %broadcast_in_dim3A_218 = vector.broadcast %broadcast_in_dim3A_217 : f32 to vector<16xf32>
      %broadcast_in_dim3A_219 = arith.constant 0.000000e+00 : f32
      %broadcast_in_dim3A_220 = vector.broadcast %broadcast_in_dim3A_219 : f32 to vector<16xf32>
      %broadcast_in_dim3A_221 = arith.constant 0.000000e+00 : f32
      %broadcast_in_dim3A_222 = vector.broadcast %broadcast_in_dim3A_221 : f32 to vector<16xf32>
      %broadcast_in_dim3A_223 = arith.constant 0.000000e+00 : f32
      %broadcast_in_dim3A_224 = vector.broadcast %broadcast_in_dim3A_223 : f32 to vector<16xf32>
      %scan3A_225 = arith.constant 0 : i32
      %scan3A_226 = arith.constant 50 : i32
      %scan3A_227 = arith.addi %scan3A_225, %scan3A_226 : i32
      %scan3A_228 = arith.constant 1 : i32
      %scan3A_229:16 = scf.for %scan3A_637 = %scan3A_225 to %scan3A_227 step %scan3A_228 iter_args(%scan3A_638 = %broadcast_in_dim3A_194, %scan3A_639 = %broadcast_in_dim3A_196, %scan3A_640 = %broadcast_in_dim3A_198, %scan3A_641 = %broadcast_in_dim3A_200, %scan3A_642 = %broadcast_in_dim3A_202, %scan3A_643 = %broadcast_in_dim3A_204, %scan3A_644 = %broadcast_in_dim3A_206, %scan3A_645 = %broadcast_in_dim3A_208, %scan3A_646 = %broadcast_in_dim3A_210, %scan3A_647 = %broadcast_in_dim3A_212, %scan3A_648 = %broadcast_in_dim3A_214, %scan3A_649 = %broadcast_in_dim3A_216, %scan3A_650 = %broadcast_in_dim3A_218, %scan3A_651 = %broadcast_in_dim3A_220, %scan3A_652 = %broadcast_in_dim3A_222, %scan3A_653 = %broadcast_in_dim3A_224) -> (vector<16xf32>, vector<16xf32>, vector<16xf32>, vector<16xf32>, vector<16xf32>, vector<16xf32>, vector<16xf32>, vector<16xf32>, vector<16xf32>, vector<16xf32>, vector<16xf32>, vector<16xf32>, vector<16xf32>, vector<16xf32>, vector<16xf32>, vector<16xf32>)  : i32 {
        %get3A = arith.index_cast %scan3A_637 : i32 to index
        %get3A_654 = arith.constant 0 : index
        %get3A_655 = tpu.vector_load %arg7[%get3A, %get3A_654] {strides = array<i32>} : memref<100x128xf32, #tpu.memory_space<vmem>>, vector<1x16xf32>,
        %get3A_656 = vector.shape_cast %get3A_655 : vector<1x16xf32> to vector<16xf32>
        %add3A_657 = arith.addf %scan3A_638, %get3A_656 : vector<16xf32>
        %get3A_658 = arith.index_cast %scan3A_637 : i32 to index
        %get3A_659 = arith.constant 16 : index
        %get3A_660 = tpu.vector_load %arg7[%get3A_658, %get3A_659] {strides = array<i32>} : memref<100x128xf32, #tpu.memory_space<vmem>>, vector<1x16xf32>,
        %get3A_661 = vector.shape_cast %get3A_660 : vector<1x16xf32> to vector<16xf32>
        %add3A_662 = arith.addf %scan3A_639, %get3A_661 : vector<16xf32>
        %get3A_663 = arith.index_cast %scan3A_637 : i32 to index
        %get3A_664 = arith.constant 32 : index
        %get3A_665 = tpu.vector_load %arg7[%get3A_663, %get3A_664] {strides = array<i32>} : memref<100x128xf32, #tpu.memory_space<vmem>>, vector<1x16xf32>,
        %get3A_666 = vector.shape_cast %get3A_665 : vector<1x16xf32> to vector<16xf32>
        %add3A_667 = arith.addf %scan3A_640, %get3A_666 : vector<16xf32>
        %get3A_668 = arith.index_cast %scan3A_637 : i32 to index
        %get3A_669 = arith.constant 48 : index
        %get3A_670 = tpu.vector_load %arg7[%get3A_668, %get3A_669] {strides = array<i32>} : memref<100x128xf32, #tpu.memory_space<vmem>>, vector<1x16xf32>,
        %get3A_671 = vector.shape_cast %get3A_670 : vector<1x16xf32> to vector<16xf32>
        %add3A_672 = arith.addf %scan3A_641, %get3A_671 : vector<16xf32>
        %get3A_673 = arith.index_cast %scan3A_637 : i32 to index
        %get3A_674 = arith.constant 64 : index
        %get3A_675 = tpu.vector_load %arg7[%get3A_673, %get3A_674] {strides = array<i32>} : memref<100x128xf32, #tpu.memory_space<vmem>>, vector<1x16xf32>,
        %get3A_676 = vector.shape_cast %get3A_675 : vector<1x16xf32> to vector<16xf32>
        %add3A_677 = arith.addf %scan3A_642, %get3A_676 : vector<16xf32>
        %get3A_678 = arith.index_cast %scan3A_637 : i32 to index
        %get3A_679 = arith.constant 80 : index
        %get3A_680 = tpu.vector_load %arg7[%get3A_678, %get3A_679] {strides = array<i32>} : memref<100x128xf32, #tpu.memory_space<vmem>>, vector<1x16xf32>,
        %get3A_681 = vector.shape_cast %get3A_680 : vector<1x16xf32> to vector<16xf32>
        %add3A_682 = arith.addf %scan3A_643, %get3A_681 : vector<16xf32>
        %get3A_683 = arith.index_cast %scan3A_637 : i32 to index
        %get3A_684 = arith.constant 96 : index
        %get3A_685 = tpu.vector_load %arg7[%get3A_683, %get3A_684] {strides = array<i32>} : memref<100x128xf32, #tpu.memory_space<vmem>>, vector<1x16xf32>,
        %get3A_686 = vector.shape_cast %get3A_685 : vector<1x16xf32> to vector<16xf32>
        %add3A_687 = arith.addf %scan3A_644, %get3A_686 : vector<16xf32>
        %get3A_688 = arith.index_cast %scan3A_637 : i32 to index
        %get3A_689 = arith.constant 112 : index
        %get3A_690 = tpu.vector_load %arg7[%get3A_688, %get3A_689] {strides = array<i32>} : memref<100x128xf32, #tpu.memory_space<vmem>>, vector<1x16xf32>,
        %get3A_691 = vector.shape_cast %get3A_690 : vector<1x16xf32> to vector<16xf32>
        %add3A_692 = arith.addf %scan3A_645, %get3A_691 : vector<16xf32>
        %add3A_693 = arith.constant 50 : i32
        %add3A_694 = arith.addi %scan3A_637, %add3A_693 : i32
        %get3A_695 = arith.index_cast %add3A_694 : i32 to index
        %get3A_696 = arith.constant 0 : index
        %get3A_697 = tpu.vector_load %arg7[%get3A_695, %get3A_696] {strides = array<i32>} : memref<100x128xf32, #tpu.memory_space<vmem>>, vector<1x16xf32>,
        %get3A_698 = vector.shape_cast %get3A_697 : vector<1x16xf32> to vector<16xf32>
        %add3A_699 = arith.addf %scan3A_646, %get3A_698 : vector<16xf32>
        %add3A_700 = arith.constant 50 : i32
        %add3A_701 = arith.addi %scan3A_637, %add3A_700 : i32
        %get3A_702 = arith.index_cast %add3A_701 : i32 to index
        %get3A_703 = arith.constant 16 : index
        %get3A_704 = tpu.vector_load %arg7[%get3A_702, %get3A_703] {strides = array<i32>} : memref<100x128xf32, #tpu.memory_space<vmem>>, vector<1x16xf32>,
        %get3A_705 = vector.shape_cast %get3A_704 : vector<1x16xf32> to vector<16xf32>
        %add3A_706 = arith.addf %scan3A_647, %get3A_705 : vector<16xf32>
        %add3A_707 = arith.constant 50 : i32
        %add3A_708 = arith.addi %scan3A_637, %add3A_707 : i32
        %get3A_709 = arith.index_cast %add3A_708 : i32 to index
        %get3A_710 = arith.constant 32 : index
        %get3A_711 = tpu.vector_load %arg7[%get3A_709, %get3A_710] {strides = array<i32>} : memref<100x128xf32, #tpu.memory_space<vmem>>, vector<1x16xf32>,
        %get3A_712 = vector.shape_cast %get3A_711 : vector<1x16xf32> to vector<16xf32>
        %add3A_713 = arith.addf %scan3A_648, %get3A_712 : vector<16xf32>
        %add3A_714 = arith.constant 50 : i32
        %add3A_715 = arith.addi %scan3A_637, %add3A_714 : i32
        %get3A_716 = arith.index_cast %add3A_715 : i32 to index
        %get3A_717 = arith.constant 48 : index
        %get3A_718 = tpu.vector_load %arg7[%get3A_716, %get3A_717] {strides = array<i32>} : memref<100x128xf32, #tpu.memory_space<vmem>>, vector<1x16xf32>,
        %get3A_719 = vector.shape_cast %get3A_718 : vector<1x16xf32> to vector<16xf32>
        %add3A_720 = arith.addf %scan3A_649, %get3A_719 : vector<16xf32>
        %add3A_721 = arith.constant 50 : i32
        %add3A_722 = arith.addi %scan3A_637, %add3A_721 : i32
        %get3A_723 = arith.index_cast %add3A_722 : i32 to index
        %get3A_724 = arith.constant 64 : index
        %get3A_725 = tpu.vector_load %arg7[%get3A_723, %get3A_724] {strides = array<i32>} : memref<100x128xf32, #tpu.memory_space<vmem>>, vector<1x16xf32>,
        %get3A_726 = vector.shape_cast %get3A_725 : vector<1x16xf32> to vector<16xf32>
        %add3A_727 = arith.addf %scan3A_650, %get3A_726 : vector<16xf32>
        %add3A_728 = arith.constant 50 : i32
        %add3A_729 = arith.addi %scan3A_637, %add3A_728 : i32
        %get3A_730 = arith.index_cast %add3A_729 : i32 to index
        %get3A_731 = arith.constant 80 : index
        %get3A_732 = tpu.vector_load %arg7[%get3A_730, %get3A_731] {strides = array<i32>} : memref<100x128xf32, #tpu.memory_space<vmem>>, vector<1x16xf32>,
        %get3A_733 = vector.shape_cast %get3A_732 : vector<1x16xf32> to vector<16xf32>
        %add3A_734 = arith.addf %scan3A_651, %get3A_733 : vector<16xf32>
        %add3A_735 = arith.constant 50 : i32
        %add3A_736 = arith.addi %scan3A_637, %add3A_735 : i32
        %get3A_737 = arith.index_cast %add3A_736 : i32 to index
        %get3A_738 = arith.constant 96 : index
        %get3A_739 = tpu.vector_load %arg7[%get3A_737, %get3A_738] {strides = array<i32>} : memref<100x128xf32, #tpu.memory_space<vmem>>, vector<1x16xf32>,
        %get3A_740 = vector.shape_cast %get3A_739 : vector<1x16xf32> to vector<16xf32>
        %add3A_741 = arith.addf %scan3A_652, %get3A_740 : vector<16xf32>
        %add3A_742 = arith.constant 50 : i32
        %add3A_743 = arith.addi %scan3A_637, %add3A_742 : i32
        %get3A_744 = arith.index_cast %add3A_743 : i32 to index
        %get3A_745 = arith.constant 112 : index
        %get3A_746 = tpu.vector_load %arg7[%get3A_744, %get3A_745] {strides = array<i32>} : memref<100x128xf32, #tpu.memory_space<vmem>>, vector<1x16xf32>,
        %get3A_747 = vector.shape_cast %get3A_746 : vector<1x16xf32> to vector<16xf32>
        %add3A_748 = arith.addf %scan3A_653, %get3A_747 : vector<16xf32>
        scf.yield %add3A_657, %add3A_662, %add3A_667, %add3A_672, %add3A_677, %add3A_682, %add3A_687, %add3A_692, %add3A_699, %add3A_706, %add3A_713, %add3A_720, %add3A_727, %add3A_734, %add3A_741, %add3A_748 : vector<16xf32>, vector<16xf32>, vector<16xf32>, vector<16xf32>, vector<16xf32>, vector<16xf32>, vector<16xf32>, vector<16xf32>, vector<16xf32>, vector<16xf32>, vector<16xf32>, vector<16xf32>, vector<16xf32>, vector<16xf32>, vector<16xf32>, vector<16xf32>
      }
      %scan3A_230 = arith.constant 50 : i32
      %mul3A_231 = arith.constant 2 : i32
      %mul3A_232 = arith.muli %mul3A_231, %add3A_186 : i32
      %swap3A_233 = arith.index_cast %mul3A_232 : i32 to index
      %swap3A_234 = arith.constant 0 : index
      %swap3A_235 = tpu.vector_load %arg10[%swap3A_233, %swap3A_234] {strides = array<i32>} : memref<128x128xf32, #tpu.memory_space<vmem>>, vector<1x16xf32>,
      %swap3A_236 = vector.shape_cast %swap3A_235 : vector<1x16xf32> to vector<16xf32>
      %swap3A_237 = vector.shape_cast %scan3A_229#0 : vector<16xf32> to vector<1x16xf32>
      tpu.vector_store %arg10[%swap3A_233, %swap3A_234], %swap3A_237 {strides = array<i32>} : memref<128x128xf32, #tpu.memory_space<vmem>>, vector<1x16xf32>,
      %add3A_238 = arith.constant 1 : i32
      %add3A_239 = arith.addi %mul3A_232, %add3A_238 : i32
      %swap3A_240 = arith.index_cast %add3A_239 : i32 to index
      %swap3A_241 = arith.constant 0 : index
      %swap3A_242 = tpu.vector_load %arg10[%swap3A_240, %swap3A_241] {strides = array<i32>} : memref<128x128xf32, #tpu.memory_space<vmem>>, vector<1x16xf32>,
      %swap3A_243 = vector.shape_cast %swap3A_242 : vector<1x16xf32> to vector<16xf32>
      %swap3A_244 = vector.shape_cast %scan3A_229#8 : vector<16xf32> to vector<1x16xf32>
      tpu.vector_store %arg10[%swap3A_240, %swap3A_241], %swap3A_244 {strides = array<i32>} : memref<128x128xf32, #tpu.memory_space<vmem>>, vector<1x16xf32>,
      %swap3A_245 = arith.index_cast %mul3A_232 : i32 to index
      %swap3A_246 = arith.constant 16 : index
      %swap3A_247 = tpu.vector_load %arg10[%swap3A_245, %swap3A_246] {strides = array<i32>} : memref<128x128xf32, #tpu.memory_space<vmem>>, vector<1x16xf32>,
      %swap3A_248 = vector.shape_cast %swap3A_247 : vector<1x16xf32> to vector<16xf32>
      %swap3A_249 = vector.shape_cast %scan3A_229#1 : vector<16xf32> to vector<1x16xf32>
      tpu.vector_store %arg10[%swap3A_245, %swap3A_246], %swap3A_249 {strides = array<i32>} : memref<128x128xf32, #tpu.memory_space<vmem>>, vector<1x16xf32>,
      %add3A_250 = arith.constant 1 : i32
      %add3A_251 = arith.addi %mul3A_232, %add3A_250 : i32
      %swap3A_252 = arith.index_cast %add3A_251 : i32 to index
      %swap3A_253 = arith.constant 16 : index
      %swap3A_254 = tpu.vector_load %arg10[%swap3A_252, %swap3A_253] {strides = array<i32>} : memref<128x128xf32, #tpu.memory_space<vmem>>, vector<1x16xf32>,
      %swap3A_255 = vector.shape_cast %swap3A_254 : vector<1x16xf32> to vector<16xf32>
      %swap3A_256 = vector.shape_cast %scan3A_229#9 : vector<16xf32> to vector<1x16xf32>
      tpu.vector_store %arg10[%swap3A_252, %swap3A_253], %swap3A_256 {strides = array<i32>} : memref<128x128xf32, #tpu.memory_space<vmem>>, vector<1x16xf32>,
      %swap3A_257 = arith.index_cast %mul3A_232 : i32 to index
      %swap3A_258 = arith.constant 32 : index
      %swap3A_259 = tpu.vector_load %arg10[%swap3A_257, %swap3A_258] {strides = array<i32>} : memref<128x128xf32, #tpu.memory_space<vmem>>, vector<1x16xf32>,
      %swap3A_260 = vector.shape_cast %swap3A_259 : vector<1x16xf32> to vector<16xf32>
      %swap3A_261 = vector.shape_cast %scan3A_229#2 : vector<16xf32> to vector<1x16xf32>
      tpu.vector_store %arg10[%swap3A_257, %swap3A_258], %swap3A_261 {strides = array<i32>} : memref<128x128xf32, #tpu.memory_space<vmem>>, vector<1x16xf32>,
      %add3A_262 = arith.constant 1 : i32
      %add3A_263 = arith.addi %mul3A_232, %add3A_262 : i32
      %swap3A_264 = arith.index_cast %add3A_263 : i32 to index
      %swap3A_265 = arith.constant 32 : index
      %swap3A_266 = tpu.vector_load %arg10[%swap3A_264, %swap3A_265] {strides = array<i32>} : memref<128x128xf32, #tpu.memory_space<vmem>>, vector<1x16xf32>,
      %swap3A_267 = vector.shape_cast %swap3A_266 : vector<1x16xf32> to vector<16xf32>
      %swap3A_268 = vector.shape_cast %scan3A_229#10 : vector<16xf32> to vector<1x16xf32>
      tpu.vector_store %arg10[%swap3A_264, %swap3A_265], %swap3A_268 {strides = array<i32>} : memref<128x128xf32, #tpu.memory_space<vmem>>, vector<1x16xf32>,
      %swap3A_269 = arith.index_cast %mul3A_232 : i32 to index
      %swap3A_270 = arith.constant 48 : index
      %swap3A_271 = tpu.vector_load %arg10[%swap3A_269, %swap3A_270] {strides = array<i32>} : memref<128x128xf32, #tpu.memory_space<vmem>>, vector<1x16xf32>,
      %swap3A_272 = vector.shape_cast %swap3A_271 : vector<1x16xf32> to vector<16xf32>
      %swap3A_273 = vector.shape_cast %scan3A_229#3 : vector<16xf32> to vector<1x16xf32>
      tpu.vector_store %arg10[%swap3A_269, %swap3A_270], %swap3A_273 {strides = array<i32>} : memref<128x128xf32, #tpu.memory_space<vmem>>, vector<1x16xf32>,
      %add3A_274 = arith.constant 1 : i32
      %add3A_275 = arith.addi %mul3A_232, %add3A_274 : i32
      %swap3A_276 = arith.index_cast %add3A_275 : i32 to index
      %swap3A_277 = arith.constant 48 : index
      %swap3A_278 = tpu.vector_load %arg10[%swap3A_276, %swap3A_277] {strides = array<i32>} : memref<128x128xf32, #tpu.memory_space<vmem>>, vector<1x16xf32>,
      %swap3A_279 = vector.shape_cast %swap3A_278 : vector<1x16xf32> to vector<16xf32>
      %swap3A_280 = vector.shape_cast %scan3A_229#11 : vector<16xf32> to vector<1x16xf32>
      tpu.vector_store %arg10[%swap3A_276, %swap3A_277], %swap3A_280 {strides = array<i32>} : memref<128x128xf32, #tpu.memory_space<vmem>>, vector<1x16xf32>,
      %swap3A_281 = arith.index_cast %mul3A_232 : i32 to index
      %swap3A_282 = arith.constant 64 : index
      %swap3A_283 = tpu.vector_load %arg10[%swap3A_281, %swap3A_282] {strides = array<i32>} : memref<128x128xf32, #tpu.memory_space<vmem>>, vector<1x16xf32>,
      %swap3A_284 = vector.shape_cast %swap3A_283 : vector<1x16xf32> to vector<16xf32>
      %swap3A_285 = vector.shape_cast %scan3A_229#4 : vector<16xf32> to vector<1x16xf32>
      tpu.vector_store %arg10[%swap3A_281, %swap3A_282], %swap3A_285 {strides = array<i32>} : memref<128x128xf32, #tpu.memory_space<vmem>>, vector<1x16xf32>,
      %add3A_286 = arith.constant 1 : i32
      %add3A_287 = arith.addi %mul3A_232, %add3A_286 : i32
      %swap3A_288 = arith.index_cast %add3A_287 : i32 to index
      %swap3A_289 = arith.constant 64 : index
      %swap3A_290 = tpu.vector_load %arg10[%swap3A_288, %swap3A_289] {strides = array<i32>} : memref<128x128xf32, #tpu.memory_space<vmem>>, vector<1x16xf32>,
      %swap3A_291 = vector.shape_cast %swap3A_290 : vector<1x16xf32> to vector<16xf32>
      %swap3A_292 = vector.shape_cast %scan3A_229#12 : vector<16xf32> to vector<1x16xf32>
      tpu.vector_store %arg10[%swap3A_288, %swap3A_289], %swap3A_292 {strides = array<i32>} : memref<128x128xf32, #tpu.memory_space<vmem>>, vector<1x16xf32>,
      %swap3A_293 = arith.index_cast %mul3A_232 : i32 to index
      %swap3A_294 = arith.constant 80 : index
      %swap3A_295 = tpu.vector_load %arg10[%swap3A_293, %swap3A_294] {strides = array<i32>} : memref<128x128xf32, #tpu.memory_space<vmem>>, vector<1x16xf32>,
      %swap3A_296 = vector.shape_cast %swap3A_295 : vector<1x16xf32> to vector<16xf32>
      %swap3A_297 = vector.shape_cast %scan3A_229#5 : vector<16xf32> to vector<1x16xf32>
      tpu.vector_store %arg10[%swap3A_293, %swap3A_294], %swap3A_297 {strides = array<i32>} : memref<128x128xf32, #tpu.memory_space<vmem>>, vector<1x16xf32>,
      %add3A_298 = arith.constant 1 : i32
      %add3A_299 = arith.addi %mul3A_232, %add3A_298 : i32
      %swap3A_300 = arith.index_cast %add3A_299 : i32 to index
      %swap3A_301 = arith.constant 80 : index
      %swap3A_302 = tpu.vector_load %arg10[%swap3A_300, %swap3A_301] {strides = array<i32>} : memref<128x128xf32, #tpu.memory_space<vmem>>, vector<1x16xf32>,
      %swap3A_303 = vector.shape_cast %swap3A_302 : vector<1x16xf32> to vector<16xf32>
      %swap3A_304 = vector.shape_cast %scan3A_229#13 : vector<16xf32> to vector<1x16xf32>
      tpu.vector_store %arg10[%swap3A_300, %swap3A_301], %swap3A_304 {strides = array<i32>} : memref<128x128xf32, #tpu.memory_space<vmem>>, vector<1x16xf32>,
      %swap3A_305 = arith.index_cast %mul3A_232 : i32 to index
      %swap3A_306 = arith.constant 96 : index
      %swap3A_307 = tpu.vector_load %arg10[%swap3A_305, %swap3A_306] {strides = array<i32>} : memref<128x128xf32, #tpu.memory_space<vmem>>, vector<1x16xf32>,
      %swap3A_308 = vector.shape_cast %swap3A_307 : vector<1x16xf32> to vector<16xf32>
      %swap3A_309 = vector.shape_cast %scan3A_229#6 : vector<16xf32> to vector<1x16xf32>
      tpu.vector_store %arg10[%swap3A_305, %swap3A_306], %swap3A_309 {strides = array<i32>} : memref<128x128xf32, #tpu.memory_space<vmem>>, vector<1x16xf32>,
      %add3A_310 = arith.constant 1 : i32
      %add3A_311 = arith.addi %mul3A_232, %add3A_310 : i32
      %swap3A_312 = arith.index_cast %add3A_311 : i32 to index
      %swap3A_313 = arith.constant 96 : index
      %swap3A_314 = tpu.vector_load %arg10[%swap3A_312, %swap3A_313] {strides = array<i32>} : memref<128x128xf32, #tpu.memory_space<vmem>>, vector<1x16xf32>,
      %swap3A_315 = vector.shape_cast %swap3A_314 : vector<1x16xf32> to vector<16xf32>
      %swap3A_316 = vector.shape_cast %scan3A_229#14 : vector<16xf32> to vector<1x16xf32>
      tpu.vector_store %arg10[%swap3A_312, %swap3A_313], %swap3A_316 {strides = array<i32>} : memref<128x128xf32, #tpu.memory_space<vmem>>, vector<1x16xf32>,
      %swap3A_317 = arith.index_cast %mul3A_232 : i32 to index
      %swap3A_318 = arith.constant 112 : index
      %swap3A_319 = tpu.vector_load %arg10[%swap3A_317, %swap3A_318] {strides = array<i32>} : memref<128x128xf32, #tpu.memory_space<vmem>>, vector<1x16xf32>,
      %swap3A_320 = vector.shape_cast %swap3A_319 : vector<1x16xf32> to vector<16xf32>
      %swap3A_321 = vector.shape_cast %scan3A_229#7 : vector<16xf32> to vector<1x16xf32>
      tpu.vector_store %arg10[%swap3A_317, %swap3A_318], %swap3A_321 {strides = array<i32>} : memref<128x128xf32, #tpu.memory_space<vmem>>, vector<1x16xf32>,
      %add3A_322 = arith.constant 1 : i32
      %add3A_323 = arith.addi %mul3A_232, %add3A_322 : i32
      %swap3A_324 = arith.index_cast %add3A_323 : i32 to index
      %swap3A_325 = arith.constant 112 : index
      %swap3A_326 = tpu.vector_load %arg10[%swap3A_324, %swap3A_325] {strides = array<i32>} : memref<128x128xf32, #tpu.memory_space<vmem>>, vector<1x16xf32>,
      %swap3A_327 = vector.shape_cast %swap3A_326 : vector<1x16xf32> to vector<16xf32>
      %swap3A_328 = vector.shape_cast %scan3A_229#15 : vector<16xf32> to vector<1x16xf32>
      tpu.vector_store %arg10[%swap3A_324, %swap3A_325], %swap3A_328 {strides = array<i32>} : memref<128x128xf32, #tpu.memory_space<vmem>>, vector<1x16xf32>,
      %lt3A_329 = arith.constant 15 : i32
      %lt3A_330 = arith.cmpi slt, %scan3A_36, %lt3A_329 : i32
      %convert_element_type3A_331 = arith.extui %lt3A_330 : i1 to i32
      %cond3A_332 = arith.constant 0 : i32
      %cond3A_333 = arith.cmpi ne, %convert_element_type3A_331, %cond3A_332 : i32
      scf.if %cond3A_333 {
        %add3A_637 = arith.constant 4 : i32
        %add3A_638 = arith.addi %add3A_186, %add3A_637 : i32
        %dma_start3A_639 = arith.constant 0 : i32
        %dma_start3A_640 = tpu.memref_slice %arg5[%add3A_638, %dma_start3A_639] : memref<64x100xi32, #tpu.memory_space<vmem>> -> memref<1x100xi32, #tpu.memory_space<vmem>>
        %dma_start3A_641 = tpu.memref_squeeze %dma_start3A_640 : memref<1x100xi32, #tpu.memory_space<vmem>> -> memref<100xi32, #tpu.memory_space<vmem>>
        %dma_start3A_642 = arith.constant 0 : i32
        %dma_start3A_643 = arith.constant 0 : i32
        %dma_start3A_644 = tpu.memref_slice %arg3[%dma_start3A_642, %dma_start3A_643] : memref<100001x128xf32, #tpu.memory_space<hbm>> -> memref<100001x128xf32, #tpu.memory_space<hbm>>
        tpu.enqueue_indirect_dma source(%dma_start3A_644 : memref<100001x128xf32, #tpu.memory_space<hbm>>) target(%arg7 : memref<100x128xf32, #tpu.memory_space<vmem>>) offsets(%dma_start3A_641 : memref<100xi32, #tpu.memory_space<vmem>>) semaphore(%arg12 : memref<!tpu.dma_semaphore, #tpu.memory_space<semaphore_mem>>)
      } else {
      }
      %mul3A_334 = arith.constant 4 : i32
      %mul3A_335 = arith.muli %mul3A_334, %scan3A_36 : i32
      %add3A_336 = arith.constant 2 : i32
      %add3A_337 = arith.addi %mul3A_335, %add3A_336 : i32
      %dma_wait3A_338 = arith.constant 0 : i32
      %dma_wait3A_339 = tpu.memref_slice %arg5[%add3A_337, %dma_wait3A_338] : memref<64x100xi32, #tpu.memory_space<vmem>> -> memref<1x100xi32, #tpu.memory_space<vmem>>
      %dma_wait3A_340 = tpu.memref_squeeze %dma_wait3A_339 : memref<1x100xi32, #tpu.memory_space<vmem>> -> memref<100xi32, #tpu.memory_space<vmem>>
      %dma_wait3A_341 = arith.constant 0 : i32
      %dma_wait3A_342 = arith.constant 0 : i32
      %dma_wait3A_343 = tpu.memref_slice %arg3[%dma_wait3A_341, %dma_wait3A_342] : memref<100001x128xf32, #tpu.memory_space<hbm>> -> memref<100001x128xf32, #tpu.memory_space<hbm>>
      tpu.wait_indirect_dma semaphore(%arg13 : memref<!tpu.dma_semaphore, #tpu.memory_space<semaphore_mem>>) src(%dma_wait3A_343 : memref<100001x128xf32, #tpu.memory_space<hbm>>) dst(%arg8 : memref<100x128xf32, #tpu.memory_space<vmem>>)
      %broadcast_in_dim3A_344 = arith.constant 0.000000e+00 : f32
      %broadcast_in_dim3A_345 = vector.broadcast %broadcast_in_dim3A_344 : f32 to vector<16xf32>
      %broadcast_in_dim3A_346 = arith.constant 0.000000e+00 : f32
      %broadcast_in_dim3A_347 = vector.broadcast %broadcast_in_dim3A_346 : f32 to vector<16xf32>
      %broadcast_in_dim3A_348 = arith.constant 0.000000e+00 : f32
      %broadcast_in_dim3A_349 = vector.broadcast %broadcast_in_dim3A_348 : f32 to vector<16xf32>
      %broadcast_in_dim3A_350 = arith.constant 0.000000e+00 : f32
      %broadcast_in_dim3A_351 = vector.broadcast %broadcast_in_dim3A_350 : f32 to vector<16xf32>
      %broadcast_in_dim3A_352 = arith.constant 0.000000e+00 : f32
      %broadcast_in_dim3A_353 = vector.broadcast %broadcast_in_dim3A_352 : f32 to vector<16xf32>
      %broadcast_in_dim3A_354 = arith.constant 0.000000e+00 : f32
      %broadcast_in_dim3A_355 = vector.broadcast %broadcast_in_dim3A_354 : f32 to vector<16xf32>
      %broadcast_in_dim3A_356 = arith.constant 0.000000e+00 : f32
      %broadcast_in_dim3A_357 = vector.broadcast %broadcast_in_dim3A_356 : f32 to vector<16xf32>
      %broadcast_in_dim3A_358 = arith.constant 0.000000e+00 : f32
      %broadcast_in_dim3A_359 = vector.broadcast %broadcast_in_dim3A_358 : f32 to vector<16xf32>
      %broadcast_in_dim3A_360 = arith.constant 0.000000e+00 : f32
      %broadcast_in_dim3A_361 = vector.broadcast %broadcast_in_dim3A_360 : f32 to vector<16xf32>
      %broadcast_in_dim3A_362 = arith.constant 0.000000e+00 : f32
      %broadcast_in_dim3A_363 = vector.broadcast %broadcast_in_dim3A_362 : f32 to vector<16xf32>
      %broadcast_in_dim3A_364 = arith.constant 0.000000e+00 : f32
      %broadcast_in_dim3A_365 = vector.broadcast %broadcast_in_dim3A_364 : f32 to vector<16xf32>
      %broadcast_in_dim3A_366 = arith.constant 0.000000e+00 : f32
      %broadcast_in_dim3A_367 = vector.broadcast %broadcast_in_dim3A_366 : f32 to vector<16xf32>
      %broadcast_in_dim3A_368 = arith.constant 0.000000e+00 : f32
      %broadcast_in_dim3A_369 = vector.broadcast %broadcast_in_dim3A_368 : f32 to vector<16xf32>
      %broadcast_in_dim3A_370 = arith.constant 0.000000e+00 : f32
      %broadcast_in_dim3A_371 = vector.broadcast %broadcast_in_dim3A_370 : f32 to vector<16xf32>
      %broadcast_in_dim3A_372 = arith.constant 0.000000e+00 : f32
      %broadcast_in_dim3A_373 = vector.broadcast %broadcast_in_dim3A_372 : f32 to vector<16xf32>
      %broadcast_in_dim3A_374 = arith.constant 0.000000e+00 : f32
      %broadcast_in_dim3A_375 = vector.broadcast %broadcast_in_dim3A_374 : f32 to vector<16xf32>
      %scan3A_376 = arith.constant 0 : i32
      %scan3A_377 = arith.constant 50 : i32
      %scan3A_378 = arith.addi %scan3A_376, %scan3A_377 : i32
      %scan3A_379 = arith.constant 1 : i32
      %scan3A_380:16 = scf.for %scan3A_637 = %scan3A_376 to %scan3A_378 step %scan3A_379 iter_args(%scan3A_638 = %broadcast_in_dim3A_345, %scan3A_639 = %broadcast_in_dim3A_347, %scan3A_640 = %broadcast_in_dim3A_349, %scan3A_641 = %broadcast_in_dim3A_351, %scan3A_642 = %broadcast_in_dim3A_353, %scan3A_643 = %broadcast_in_dim3A_355, %scan3A_644 = %broadcast_in_dim3A_357, %scan3A_645 = %broadcast_in_dim3A_359, %scan3A_646 = %broadcast_in_dim3A_361, %scan3A_647 = %broadcast_in_dim3A_363, %scan3A_648 = %broadcast_in_dim3A_365, %scan3A_649 = %broadcast_in_dim3A_367, %scan3A_650 = %broadcast_in_dim3A_369, %scan3A_651 = %broadcast_in_dim3A_371, %scan3A_652 = %broadcast_in_dim3A_373, %scan3A_653 = %broadcast_in_dim3A_375) -> (vector<16xf32>, vector<16xf32>, vector<16xf32>, vector<16xf32>, vector<16xf32>, vector<16xf32>, vector<16xf32>, vector<16xf32>, vector<16xf32>, vector<16xf32>, vector<16xf32>, vector<16xf32>, vector<16xf32>, vector<16xf32>, vector<16xf32>, vector<16xf32>)  : i32 {
        %get3A = arith.index_cast %scan3A_637 : i32 to index
        %get3A_654 = arith.constant 0 : index
        %get3A_655 = tpu.vector_load %arg8[%get3A, %get3A_654] {strides = array<i32>} : memref<100x128xf32, #tpu.memory_space<vmem>>, vector<1x16xf32>,
        %get3A_656 = vector.shape_cast %get3A_655 : vector<1x16xf32> to vector<16xf32>
        %add3A_657 = arith.addf %scan3A_638, %get3A_656 : vector<16xf32>
        %get3A_658 = arith.index_cast %scan3A_637 : i32 to index
        %get3A_659 = arith.constant 16 : index
        %get3A_660 = tpu.vector_load %arg8[%get3A_658, %get3A_659] {strides = array<i32>} : memref<100x128xf32, #tpu.memory_space<vmem>>, vector<1x16xf32>,
        %get3A_661 = vector.shape_cast %get3A_660 : vector<1x16xf32> to vector<16xf32>
        %add3A_662 = arith.addf %scan3A_639, %get3A_661 : vector<16xf32>
        %get3A_663 = arith.index_cast %scan3A_637 : i32 to index
        %get3A_664 = arith.constant 32 : index
        %get3A_665 = tpu.vector_load %arg8[%get3A_663, %get3A_664] {strides = array<i32>} : memref<100x128xf32, #tpu.memory_space<vmem>>, vector<1x16xf32>,
        %get3A_666 = vector.shape_cast %get3A_665 : vector<1x16xf32> to vector<16xf32>
        %add3A_667 = arith.addf %scan3A_640, %get3A_666 : vector<16xf32>
        %get3A_668 = arith.index_cast %scan3A_637 : i32 to index
        %get3A_669 = arith.constant 48 : index
        %get3A_670 = tpu.vector_load %arg8[%get3A_668, %get3A_669] {strides = array<i32>} : memref<100x128xf32, #tpu.memory_space<vmem>>, vector<1x16xf32>,
        %get3A_671 = vector.shape_cast %get3A_670 : vector<1x16xf32> to vector<16xf32>
        %add3A_672 = arith.addf %scan3A_641, %get3A_671 : vector<16xf32>
        %get3A_673 = arith.index_cast %scan3A_637 : i32 to index
        %get3A_674 = arith.constant 64 : index
        %get3A_675 = tpu.vector_load %arg8[%get3A_673, %get3A_674] {strides = array<i32>} : memref<100x128xf32, #tpu.memory_space<vmem>>, vector<1x16xf32>,
        %get3A_676 = vector.shape_cast %get3A_675 : vector<1x16xf32> to vector<16xf32>
        %add3A_677 = arith.addf %scan3A_642, %get3A_676 : vector<16xf32>
        %get3A_678 = arith.index_cast %scan3A_637 : i32 to index
        %get3A_679 = arith.constant 80 : index
        %get3A_680 = tpu.vector_load %arg8[%get3A_678, %get3A_679] {strides = array<i32>} : memref<100x128xf32, #tpu.memory_space<vmem>>, vector<1x16xf32>,
        %get3A_681 = vector.shape_cast %get3A_680 : vector<1x16xf32> to vector<16xf32>
        %add3A_682 = arith.addf %scan3A_643, %get3A_681 : vector<16xf32>
        %get3A_683 = arith.index_cast %scan3A_637 : i32 to index
        %get3A_684 = arith.constant 96 : index
        %get3A_685 = tpu.vector_load %arg8[%get3A_683, %get3A_684] {strides = array<i32>} : memref<100x128xf32, #tpu.memory_space<vmem>>, vector<1x16xf32>,
        %get3A_686 = vector.shape_cast %get3A_685 : vector<1x16xf32> to vector<16xf32>
        %add3A_687 = arith.addf %scan3A_644, %get3A_686 : vector<16xf32>
        %get3A_688 = arith.index_cast %scan3A_637 : i32 to index
        %get3A_689 = arith.constant 112 : index
        %get3A_690 = tpu.vector_load %arg8[%get3A_688, %get3A_689] {strides = array<i32>} : memref<100x128xf32, #tpu.memory_space<vmem>>, vector<1x16xf32>,
        %get3A_691 = vector.shape_cast %get3A_690 : vector<1x16xf32> to vector<16xf32>
        %add3A_692 = arith.addf %scan3A_645, %get3A_691 : vector<16xf32>
        %add3A_693 = arith.constant 50 : i32
        %add3A_694 = arith.addi %scan3A_637, %add3A_693 : i32
        %get3A_695 = arith.index_cast %add3A_694 : i32 to index
        %get3A_696 = arith.constant 0 : index
        %get3A_697 = tpu.vector_load %arg8[%get3A_695, %get3A_696] {strides = array<i32>} : memref<100x128xf32, #tpu.memory_space<vmem>>, vector<1x16xf32>,
        %get3A_698 = vector.shape_cast %get3A_697 : vector<1x16xf32> to vector<16xf32>
        %add3A_699 = arith.addf %scan3A_646, %get3A_698 : vector<16xf32>
        %add3A_700 = arith.constant 50 : i32
        %add3A_701 = arith.addi %scan3A_637, %add3A_700 : i32
        %get3A_702 = arith.index_cast %add3A_701 : i32 to index
        %get3A_703 = arith.constant 16 : index
        %get3A_704 = tpu.vector_load %arg8[%get3A_702, %get3A_703] {strides = array<i32>} : memref<100x128xf32, #tpu.memory_space<vmem>>, vector<1x16xf32>,
        %get3A_705 = vector.shape_cast %get3A_704 : vector<1x16xf32> to vector<16xf32>
        %add3A_706 = arith.addf %scan3A_647, %get3A_705 : vector<16xf32>
        %add3A_707 = arith.constant 50 : i32
        %add3A_708 = arith.addi %scan3A_637, %add3A_707 : i32
        %get3A_709 = arith.index_cast %add3A_708 : i32 to index
        %get3A_710 = arith.constant 32 : index
        %get3A_711 = tpu.vector_load %arg8[%get3A_709, %get3A_710] {strides = array<i32>} : memref<100x128xf32, #tpu.memory_space<vmem>>, vector<1x16xf32>,
        %get3A_712 = vector.shape_cast %get3A_711 : vector<1x16xf32> to vector<16xf32>
        %add3A_713 = arith.addf %scan3A_648, %get3A_712 : vector<16xf32>
        %add3A_714 = arith.constant 50 : i32
        %add3A_715 = arith.addi %scan3A_637, %add3A_714 : i32
        %get3A_716 = arith.index_cast %add3A_715 : i32 to index
        %get3A_717 = arith.constant 48 : index
        %get3A_718 = tpu.vector_load %arg8[%get3A_716, %get3A_717] {strides = array<i32>} : memref<100x128xf32, #tpu.memory_space<vmem>>, vector<1x16xf32>,
        %get3A_719 = vector.shape_cast %get3A_718 : vector<1x16xf32> to vector<16xf32>
        %add3A_720 = arith.addf %scan3A_649, %get3A_719 : vector<16xf32>
        %add3A_721 = arith.constant 50 : i32
        %add3A_722 = arith.addi %scan3A_637, %add3A_721 : i32
        %get3A_723 = arith.index_cast %add3A_722 : i32 to index
        %get3A_724 = arith.constant 64 : index
        %get3A_725 = tpu.vector_load %arg8[%get3A_723, %get3A_724] {strides = array<i32>} : memref<100x128xf32, #tpu.memory_space<vmem>>, vector<1x16xf32>,
        %get3A_726 = vector.shape_cast %get3A_725 : vector<1x16xf32> to vector<16xf32>
        %add3A_727 = arith.addf %scan3A_650, %get3A_726 : vector<16xf32>
        %add3A_728 = arith.constant 50 : i32
        %add3A_729 = arith.addi %scan3A_637, %add3A_728 : i32
        %get3A_730 = arith.index_cast %add3A_729 : i32 to index
        %get3A_731 = arith.constant 80 : index
        %get3A_732 = tpu.vector_load %arg8[%get3A_730, %get3A_731] {strides = array<i32>} : memref<100x128xf32, #tpu.memory_space<vmem>>, vector<1x16xf32>,
        %get3A_733 = vector.shape_cast %get3A_732 : vector<1x16xf32> to vector<16xf32>
        %add3A_734 = arith.addf %scan3A_651, %get3A_733 : vector<16xf32>
        %add3A_735 = arith.constant 50 : i32
        %add3A_736 = arith.addi %scan3A_637, %add3A_735 : i32
        %get3A_737 = arith.index_cast %add3A_736 : i32 to index
        %get3A_738 = arith.constant 96 : index
        %get3A_739 = tpu.vector_load %arg8[%get3A_737, %get3A_738] {strides = array<i32>} : memref<100x128xf32, #tpu.memory_space<vmem>>, vector<1x16xf32>,
        %get3A_740 = vector.shape_cast %get3A_739 : vector<1x16xf32> to vector<16xf32>
        %add3A_741 = arith.addf %scan3A_652, %get3A_740 : vector<16xf32>
        %add3A_742 = arith.constant 50 : i32
        %add3A_743 = arith.addi %scan3A_637, %add3A_742 : i32
        %get3A_744 = arith.index_cast %add3A_743 : i32 to index
        %get3A_745 = arith.constant 112 : index
        %get3A_746 = tpu.vector_load %arg8[%get3A_744, %get3A_745] {strides = array<i32>} : memref<100x128xf32, #tpu.memory_space<vmem>>, vector<1x16xf32>,
        %get3A_747 = vector.shape_cast %get3A_746 : vector<1x16xf32> to vector<16xf32>
        %add3A_748 = arith.addf %scan3A_653, %get3A_747 : vector<16xf32>
        scf.yield %add3A_657, %add3A_662, %add3A_667, %add3A_672, %add3A_677, %add3A_682, %add3A_687, %add3A_692, %add3A_699, %add3A_706, %add3A_713, %add3A_720, %add3A_727, %add3A_734, %add3A_741, %add3A_748 : vector<16xf32>, vector<16xf32>, vector<16xf32>, vector<16xf32>, vector<16xf32>, vector<16xf32>, vector<16xf32>, vector<16xf32>, vector<16xf32>, vector<16xf32>, vector<16xf32>, vector<16xf32>, vector<16xf32>, vector<16xf32>, vector<16xf32>, vector<16xf32>
      }
      %scan3A_381 = arith.constant 50 : i32
      %mul3A_382 = arith.constant 2 : i32
      %mul3A_383 = arith.muli %mul3A_382, %add3A_337 : i32
      %swap3A_384 = arith.index_cast %mul3A_383 : i32 to index
      %swap3A_385 = arith.constant 0 : index
      %swap3A_386 = tpu.vector_load %arg10[%swap3A_384, %swap3A_385] {strides = array<i32>} : memref<128x128xf32, #tpu.memory_space<vmem>>, vector<1x16xf32>,
      %swap3A_387 = vector.shape_cast %swap3A_386 : vector<1x16xf32> to vector<16xf32>
      %swap3A_388 = vector.shape_cast %scan3A_380#0 : vector<16xf32> to vector<1x16xf32>
      tpu.vector_store %arg10[%swap3A_384, %swap3A_385], %swap3A_388 {strides = array<i32>} : memref<128x128xf32, #tpu.memory_space<vmem>>, vector<1x16xf32>,
      %add3A_389 = arith.constant 1 : i32
      %add3A_390 = arith.addi %mul3A_383, %add3A_389 : i32
      %swap3A_391 = arith.index_cast %add3A_390 : i32 to index
      %swap3A_392 = arith.constant 0 : index
      %swap3A_393 = tpu.vector_load %arg10[%swap3A_391, %swap3A_392] {strides = array<i32>} : memref<128x128xf32, #tpu.memory_space<vmem>>, vector<1x16xf32>,
      %swap3A_394 = vector.shape_cast %swap3A_393 : vector<1x16xf32> to vector<16xf32>
      %swap3A_395 = vector.shape_cast %scan3A_380#8 : vector<16xf32> to vector<1x16xf32>
      tpu.vector_store %arg10[%swap3A_391, %swap3A_392], %swap3A_395 {strides = array<i32>} : memref<128x128xf32, #tpu.memory_space<vmem>>, vector<1x16xf32>,
      %swap3A_396 = arith.index_cast %mul3A_383 : i32 to index
      %swap3A_397 = arith.constant 16 : index
      %swap3A_398 = tpu.vector_load %arg10[%swap3A_396, %swap3A_397] {strides = array<i32>} : memref<128x128xf32, #tpu.memory_space<vmem>>, vector<1x16xf32>,
      %swap3A_399 = vector.shape_cast %swap3A_398 : vector<1x16xf32> to vector<16xf32>
      %swap3A_400 = vector.shape_cast %scan3A_380#1 : vector<16xf32> to vector<1x16xf32>
      tpu.vector_store %arg10[%swap3A_396, %swap3A_397], %swap3A_400 {strides = array<i32>} : memref<128x128xf32, #tpu.memory_space<vmem>>, vector<1x16xf32>,
      %add3A_401 = arith.constant 1 : i32
      %add3A_402 = arith.addi %mul3A_383, %add3A_401 : i32
      %swap3A_403 = arith.index_cast %add3A_402 : i32 to index
      %swap3A_404 = arith.constant 16 : index
      %swap3A_405 = tpu.vector_load %arg10[%swap3A_403, %swap3A_404] {strides = array<i32>} : memref<128x128xf32, #tpu.memory_space<vmem>>, vector<1x16xf32>,
      %swap3A_406 = vector.shape_cast %swap3A_405 : vector<1x16xf32> to vector<16xf32>
      %swap3A_407 = vector.shape_cast %scan3A_380#9 : vector<16xf32> to vector<1x16xf32>
      tpu.vector_store %arg10[%swap3A_403, %swap3A_404], %swap3A_407 {strides = array<i32>} : memref<128x128xf32, #tpu.memory_space<vmem>>, vector<1x16xf32>,
      %swap3A_408 = arith.index_cast %mul3A_383 : i32 to index
      %swap3A_409 = arith.constant 32 : index
      %swap3A_410 = tpu.vector_load %arg10[%swap3A_408, %swap3A_409] {strides = array<i32>} : memref<128x128xf32, #tpu.memory_space<vmem>>, vector<1x16xf32>,
      %swap3A_411 = vector.shape_cast %swap3A_410 : vector<1x16xf32> to vector<16xf32>
      %swap3A_412 = vector.shape_cast %scan3A_380#2 : vector<16xf32> to vector<1x16xf32>
      tpu.vector_store %arg10[%swap3A_408, %swap3A_409], %swap3A_412 {strides = array<i32>} : memref<128x128xf32, #tpu.memory_space<vmem>>, vector<1x16xf32>,
      %add3A_413 = arith.constant 1 : i32
      %add3A_414 = arith.addi %mul3A_383, %add3A_413 : i32
      %swap3A_415 = arith.index_cast %add3A_414 : i32 to index
      %swap3A_416 = arith.constant 32 : index
      %swap3A_417 = tpu.vector_load %arg10[%swap3A_415, %swap3A_416] {strides = array<i32>} : memref<128x128xf32, #tpu.memory_space<vmem>>, vector<1x16xf32>,
      %swap3A_418 = vector.shape_cast %swap3A_417 : vector<1x16xf32> to vector<16xf32>
      %swap3A_419 = vector.shape_cast %scan3A_380#10 : vector<16xf32> to vector<1x16xf32>
      tpu.vector_store %arg10[%swap3A_415, %swap3A_416], %swap3A_419 {strides = array<i32>} : memref<128x128xf32, #tpu.memory_space<vmem>>, vector<1x16xf32>,
      %swap3A_420 = arith.index_cast %mul3A_383 : i32 to index
      %swap3A_421 = arith.constant 48 : index
      %swap3A_422 = tpu.vector_load %arg10[%swap3A_420, %swap3A_421] {strides = array<i32>} : memref<128x128xf32, #tpu.memory_space<vmem>>, vector<1x16xf32>,
      %swap3A_423 = vector.shape_cast %swap3A_422 : vector<1x16xf32> to vector<16xf32>
      %swap3A_424 = vector.shape_cast %scan3A_380#3 : vector<16xf32> to vector<1x16xf32>
      tpu.vector_store %arg10[%swap3A_420, %swap3A_421], %swap3A_424 {strides = array<i32>} : memref<128x128xf32, #tpu.memory_space<vmem>>, vector<1x16xf32>,
      %add3A_425 = arith.constant 1 : i32
      %add3A_426 = arith.addi %mul3A_383, %add3A_425 : i32
      %swap3A_427 = arith.index_cast %add3A_426 : i32 to index
      %swap3A_428 = arith.constant 48 : index
      %swap3A_429 = tpu.vector_load %arg10[%swap3A_427, %swap3A_428] {strides = array<i32>} : memref<128x128xf32, #tpu.memory_space<vmem>>, vector<1x16xf32>,
      %swap3A_430 = vector.shape_cast %swap3A_429 : vector<1x16xf32> to vector<16xf32>
      %swap3A_431 = vector.shape_cast %scan3A_380#11 : vector<16xf32> to vector<1x16xf32>
      tpu.vector_store %arg10[%swap3A_427, %swap3A_428], %swap3A_431 {strides = array<i32>} : memref<128x128xf32, #tpu.memory_space<vmem>>, vector<1x16xf32>,
      %swap3A_432 = arith.index_cast %mul3A_383 : i32 to index
      %swap3A_433 = arith.constant 64 : index
      %swap3A_434 = tpu.vector_load %arg10[%swap3A_432, %swap3A_433] {strides = array<i32>} : memref<128x128xf32, #tpu.memory_space<vmem>>, vector<1x16xf32>,
      %swap3A_435 = vector.shape_cast %swap3A_434 : vector<1x16xf32> to vector<16xf32>
      %swap3A_436 = vector.shape_cast %scan3A_380#4 : vector<16xf32> to vector<1x16xf32>
      tpu.vector_store %arg10[%swap3A_432, %swap3A_433], %swap3A_436 {strides = array<i32>} : memref<128x128xf32, #tpu.memory_space<vmem>>, vector<1x16xf32>,
      %add3A_437 = arith.constant 1 : i32
      %add3A_438 = arith.addi %mul3A_383, %add3A_437 : i32
      %swap3A_439 = arith.index_cast %add3A_438 : i32 to index
      %swap3A_440 = arith.constant 64 : index
      %swap3A_441 = tpu.vector_load %arg10[%swap3A_439, %swap3A_440] {strides = array<i32>} : memref<128x128xf32, #tpu.memory_space<vmem>>, vector<1x16xf32>,
      %swap3A_442 = vector.shape_cast %swap3A_441 : vector<1x16xf32> to vector<16xf32>
      %swap3A_443 = vector.shape_cast %scan3A_380#12 : vector<16xf32> to vector<1x16xf32>
      tpu.vector_store %arg10[%swap3A_439, %swap3A_440], %swap3A_443 {strides = array<i32>} : memref<128x128xf32, #tpu.memory_space<vmem>>, vector<1x16xf32>,
      %swap3A_444 = arith.index_cast %mul3A_383 : i32 to index
      %swap3A_445 = arith.constant 80 : index
      %swap3A_446 = tpu.vector_load %arg10[%swap3A_444, %swap3A_445] {strides = array<i32>} : memref<128x128xf32, #tpu.memory_space<vmem>>, vector<1x16xf32>,
      %swap3A_447 = vector.shape_cast %swap3A_446 : vector<1x16xf32> to vector<16xf32>
      %swap3A_448 = vector.shape_cast %scan3A_380#5 : vector<16xf32> to vector<1x16xf32>
      tpu.vector_store %arg10[%swap3A_444, %swap3A_445], %swap3A_448 {strides = array<i32>} : memref<128x128xf32, #tpu.memory_space<vmem>>, vector<1x16xf32>,
      %add3A_449 = arith.constant 1 : i32
      %add3A_450 = arith.addi %mul3A_383, %add3A_449 : i32
      %swap3A_451 = arith.index_cast %add3A_450 : i32 to index
      %swap3A_452 = arith.constant 80 : index
      %swap3A_453 = tpu.vector_load %arg10[%swap3A_451, %swap3A_452] {strides = array<i32>} : memref<128x128xf32, #tpu.memory_space<vmem>>, vector<1x16xf32>,
      %swap3A_454 = vector.shape_cast %swap3A_453 : vector<1x16xf32> to vector<16xf32>
      %swap3A_455 = vector.shape_cast %scan3A_380#13 : vector<16xf32> to vector<1x16xf32>
      tpu.vector_store %arg10[%swap3A_451, %swap3A_452], %swap3A_455 {strides = array<i32>} : memref<128x128xf32, #tpu.memory_space<vmem>>, vector<1x16xf32>,
      %swap3A_456 = arith.index_cast %mul3A_383 : i32 to index
      %swap3A_457 = arith.constant 96 : index
      %swap3A_458 = tpu.vector_load %arg10[%swap3A_456, %swap3A_457] {strides = array<i32>} : memref<128x128xf32, #tpu.memory_space<vmem>>, vector<1x16xf32>,
      %swap3A_459 = vector.shape_cast %swap3A_458 : vector<1x16xf32> to vector<16xf32>
      %swap3A_460 = vector.shape_cast %scan3A_380#6 : vector<16xf32> to vector<1x16xf32>
      tpu.vector_store %arg10[%swap3A_456, %swap3A_457], %swap3A_460 {strides = array<i32>} : memref<128x128xf32, #tpu.memory_space<vmem>>, vector<1x16xf32>,
      %add3A_461 = arith.constant 1 : i32
      %add3A_462 = arith.addi %mul3A_383, %add3A_461 : i32
      %swap3A_463 = arith.index_cast %add3A_462 : i32 to index
      %swap3A_464 = arith.constant 96 : index
      %swap3A_465 = tpu.vector_load %arg10[%swap3A_463, %swap3A_464] {strides = array<i32>} : memref<128x128xf32, #tpu.memory_space<vmem>>, vector<1x16xf32>,
      %swap3A_466 = vector.shape_cast %swap3A_465 : vector<1x16xf32> to vector<16xf32>
      %swap3A_467 = vector.shape_cast %scan3A_380#14 : vector<16xf32> to vector<1x16xf32>
      tpu.vector_store %arg10[%swap3A_463, %swap3A_464], %swap3A_467 {strides = array<i32>} : memref<128x128xf32, #tpu.memory_space<vmem>>, vector<1x16xf32>,
      %swap3A_468 = arith.index_cast %mul3A_383 : i32 to index
      %swap3A_469 = arith.constant 112 : index
      %swap3A_470 = tpu.vector_load %arg10[%swap3A_468, %swap3A_469] {strides = array<i32>} : memref<128x128xf32, #tpu.memory_space<vmem>>, vector<1x16xf32>,
      %swap3A_471 = vector.shape_cast %swap3A_470 : vector<1x16xf32> to vector<16xf32>
      %swap3A_472 = vector.shape_cast %scan3A_380#7 : vector<16xf32> to vector<1x16xf32>
      tpu.vector_store %arg10[%swap3A_468, %swap3A_469], %swap3A_472 {strides = array<i32>} : memref<128x128xf32, #tpu.memory_space<vmem>>, vector<1x16xf32>,
      %add3A_473 = arith.constant 1 : i32
      %add3A_474 = arith.addi %mul3A_383, %add3A_473 : i32
      %swap3A_475 = arith.index_cast %add3A_474 : i32 to index
      %swap3A_476 = arith.constant 112 : index
      %swap3A_477 = tpu.vector_load %arg10[%swap3A_475, %swap3A_476] {strides = array<i32>} : memref<128x128xf32, #tpu.memory_space<vmem>>, vector<1x16xf32>,
      %swap3A_478 = vector.shape_cast %swap3A_477 : vector<1x16xf32> to vector<16xf32>
      %swap3A_479 = vector.shape_cast %scan3A_380#15 : vector<16xf32> to vector<1x16xf32>
      tpu.vector_store %arg10[%swap3A_475, %swap3A_476], %swap3A_479 {strides = array<i32>} : memref<128x128xf32, #tpu.memory_space<vmem>>, vector<1x16xf32>,
      %lt3A_480 = arith.constant 15 : i32
      %lt3A_481 = arith.cmpi slt, %scan3A_36, %lt3A_480 : i32
      %convert_element_type3A_482 = arith.extui %lt3A_481 : i1 to i32
      %cond3A_483 = arith.constant 0 : i32
      %cond3A_484 = arith.cmpi ne, %convert_element_type3A_482, %cond3A_483 : i32
      scf.if %cond3A_484 {
        %add3A_637 = arith.constant 4 : i32
        %add3A_638 = arith.addi %add3A_337, %add3A_637 : i32
        %dma_start3A_639 = arith.constant 0 : i32
        %dma_start3A_640 = tpu.memref_slice %arg5[%add3A_638, %dma_start3A_639] : memref<64x100xi32, #tpu.memory_space<vmem>> -> memref<1x100xi32, #tpu.memory_space<vmem>>
        %dma_start3A_641 = tpu.memref_squeeze %dma_start3A_640 : memref<1x100xi32, #tpu.memory_space<vmem>> -> memref<100xi32, #tpu.memory_space<vmem>>
        %dma_start3A_642 = arith.constant 0 : i32
        %dma_start3A_643 = arith.constant 0 : i32
        %dma_start3A_644 = tpu.memref_slice %arg3[%dma_start3A_642, %dma_start3A_643] : memref<100001x128xf32, #tpu.memory_space<hbm>> -> memref<100001x128xf32, #tpu.memory_space<hbm>>
        tpu.enqueue_indirect_dma source(%dma_start3A_644 : memref<100001x128xf32, #tpu.memory_space<hbm>>) target(%arg8 : memref<100x128xf32, #tpu.memory_space<vmem>>) offsets(%dma_start3A_641 : memref<100xi32, #tpu.memory_space<vmem>>) semaphore(%arg13 : memref<!tpu.dma_semaphore, #tpu.memory_space<semaphore_mem>>)
      } else {
      }
      %mul3A_485 = arith.constant 4 : i32
      %mul3A_486 = arith.muli %mul3A_485, %scan3A_36 : i32
      %add3A_487 = arith.constant 3 : i32
      %add3A_488 = arith.addi %mul3A_486, %add3A_487 : i32
      %dma_wait3A_489 = arith.constant 0 : i32
      %dma_wait3A_490 = tpu.memref_slice %arg5[%add3A_488, %dma_wait3A_489] : memref<64x100xi32, #tpu.memory_space<vmem>> -> memref<1x100xi32, #tpu.memory_space<vmem>>
      %dma_wait3A_491 = tpu.memref_squeeze %dma_wait3A_490 : memref<1x100xi32, #tpu.memory_space<vmem>> -> memref<100xi32, #tpu.memory_space<vmem>>
      %dma_wait3A_492 = arith.constant 0 : i32
      %dma_wait3A_493 = arith.constant 0 : i32
      %dma_wait3A_494 = tpu.memref_slice %arg3[%dma_wait3A_492, %dma_wait3A_493] : memref<100001x128xf32, #tpu.memory_space<hbm>> -> memref<100001x128xf32, #tpu.memory_space<hbm>>
      tpu.wait_indirect_dma semaphore(%arg14 : memref<!tpu.dma_semaphore, #tpu.memory_space<semaphore_mem>>) src(%dma_wait3A_494 : memref<100001x128xf32, #tpu.memory_space<hbm>>) dst(%arg9 : memref<100x128xf32, #tpu.memory_space<vmem>>)
      %broadcast_in_dim3A_495 = arith.constant 0.000000e+00 : f32
      %broadcast_in_dim3A_496 = vector.broadcast %broadcast_in_dim3A_495 : f32 to vector<16xf32>
      %broadcast_in_dim3A_497 = arith.constant 0.000000e+00 : f32
      %broadcast_in_dim3A_498 = vector.broadcast %broadcast_in_dim3A_497 : f32 to vector<16xf32>
      %broadcast_in_dim3A_499 = arith.constant 0.000000e+00 : f32
      %broadcast_in_dim3A_500 = vector.broadcast %broadcast_in_dim3A_499 : f32 to vector<16xf32>
      %broadcast_in_dim3A_501 = arith.constant 0.000000e+00 : f32
      %broadcast_in_dim3A_502 = vector.broadcast %broadcast_in_dim3A_501 : f32 to vector<16xf32>
      %broadcast_in_dim3A_503 = arith.constant 0.000000e+00 : f32
      %broadcast_in_dim3A_504 = vector.broadcast %broadcast_in_dim3A_503 : f32 to vector<16xf32>
      %broadcast_in_dim3A_505 = arith.constant 0.000000e+00 : f32
      %broadcast_in_dim3A_506 = vector.broadcast %broadcast_in_dim3A_505 : f32 to vector<16xf32>
      %broadcast_in_dim3A_507 = arith.constant 0.000000e+00 : f32
      %broadcast_in_dim3A_508 = vector.broadcast %broadcast_in_dim3A_507 : f32 to vector<16xf32>
      %broadcast_in_dim3A_509 = arith.constant 0.000000e+00 : f32
      %broadcast_in_dim3A_510 = vector.broadcast %broadcast_in_dim3A_509 : f32 to vector<16xf32>
      %broadcast_in_dim3A_511 = arith.constant 0.000000e+00 : f32
      %broadcast_in_dim3A_512 = vector.broadcast %broadcast_in_dim3A_511 : f32 to vector<16xf32>
      %broadcast_in_dim3A_513 = arith.constant 0.000000e+00 : f32
      %broadcast_in_dim3A_514 = vector.broadcast %broadcast_in_dim3A_513 : f32 to vector<16xf32>
      %broadcast_in_dim3A_515 = arith.constant 0.000000e+00 : f32
      %broadcast_in_dim3A_516 = vector.broadcast %broadcast_in_dim3A_515 : f32 to vector<16xf32>
      %broadcast_in_dim3A_517 = arith.constant 0.000000e+00 : f32
      %broadcast_in_dim3A_518 = vector.broadcast %broadcast_in_dim3A_517 : f32 to vector<16xf32>
      %broadcast_in_dim3A_519 = arith.constant 0.000000e+00 : f32
      %broadcast_in_dim3A_520 = vector.broadcast %broadcast_in_dim3A_519 : f32 to vector<16xf32>
      %broadcast_in_dim3A_521 = arith.constant 0.000000e+00 : f32
      %broadcast_in_dim3A_522 = vector.broadcast %broadcast_in_dim3A_521 : f32 to vector<16xf32>
      %broadcast_in_dim3A_523 = arith.constant 0.000000e+00 : f32
      %broadcast_in_dim3A_524 = vector.broadcast %broadcast_in_dim3A_523 : f32 to vector<16xf32>
      %broadcast_in_dim3A_525 = arith.constant 0.000000e+00 : f32
      %broadcast_in_dim3A_526 = vector.broadcast %broadcast_in_dim3A_525 : f32 to vector<16xf32>
      %scan3A_527 = arith.constant 0 : i32
      %scan3A_528 = arith.constant 50 : i32
      %scan3A_529 = arith.addi %scan3A_527, %scan3A_528 : i32
      %scan3A_530 = arith.constant 1 : i32
      %scan3A_531:16 = scf.for %scan3A_637 = %scan3A_527 to %scan3A_529 step %scan3A_530 iter_args(%scan3A_638 = %broadcast_in_dim3A_496, %scan3A_639 = %broadcast_in_dim3A_498, %scan3A_640 = %broadcast_in_dim3A_500, %scan3A_641 = %broadcast_in_dim3A_502, %scan3A_642 = %broadcast_in_dim3A_504, %scan3A_643 = %broadcast_in_dim3A_506, %scan3A_644 = %broadcast_in_dim3A_508, %scan3A_645 = %broadcast_in_dim3A_510, %scan3A_646 = %broadcast_in_dim3A_512, %scan3A_647 = %broadcast_in_dim3A_514, %scan3A_648 = %broadcast_in_dim3A_516, %scan3A_649 = %broadcast_in_dim3A_518, %scan3A_650 = %broadcast_in_dim3A_520, %scan3A_651 = %broadcast_in_dim3A_522, %scan3A_652 = %broadcast_in_dim3A_524, %scan3A_653 = %broadcast_in_dim3A_526) -> (vector<16xf32>, vector<16xf32>, vector<16xf32>, vector<16xf32>, vector<16xf32>, vector<16xf32>, vector<16xf32>, vector<16xf32>, vector<16xf32>, vector<16xf32>, vector<16xf32>, vector<16xf32>, vector<16xf32>, vector<16xf32>, vector<16xf32>, vector<16xf32>)  : i32 {
        %get3A = arith.index_cast %scan3A_637 : i32 to index
        %get3A_654 = arith.constant 0 : index
        %get3A_655 = tpu.vector_load %arg9[%get3A, %get3A_654] {strides = array<i32>} : memref<100x128xf32, #tpu.memory_space<vmem>>, vector<1x16xf32>,
        %get3A_656 = vector.shape_cast %get3A_655 : vector<1x16xf32> to vector<16xf32>
        %add3A_657 = arith.addf %scan3A_638, %get3A_656 : vector<16xf32>
        %get3A_658 = arith.index_cast %scan3A_637 : i32 to index
        %get3A_659 = arith.constant 16 : index
        %get3A_660 = tpu.vector_load %arg9[%get3A_658, %get3A_659] {strides = array<i32>} : memref<100x128xf32, #tpu.memory_space<vmem>>, vector<1x16xf32>,
        %get3A_661 = vector.shape_cast %get3A_660 : vector<1x16xf32> to vector<16xf32>
        %add3A_662 = arith.addf %scan3A_639, %get3A_661 : vector<16xf32>
        %get3A_663 = arith.index_cast %scan3A_637 : i32 to index
        %get3A_664 = arith.constant 32 : index
        %get3A_665 = tpu.vector_load %arg9[%get3A_663, %get3A_664] {strides = array<i32>} : memref<100x128xf32, #tpu.memory_space<vmem>>, vector<1x16xf32>,
        %get3A_666 = vector.shape_cast %get3A_665 : vector<1x16xf32> to vector<16xf32>
        %add3A_667 = arith.addf %scan3A_640, %get3A_666 : vector<16xf32>
        %get3A_668 = arith.index_cast %scan3A_637 : i32 to index
        %get3A_669 = arith.constant 48 : index
        %get3A_670 = tpu.vector_load %arg9[%get3A_668, %get3A_669] {strides = array<i32>} : memref<100x128xf32, #tpu.memory_space<vmem>>, vector<1x16xf32>,
        %get3A_671 = vector.shape_cast %get3A_670 : vector<1x16xf32> to vector<16xf32>
        %add3A_672 = arith.addf %scan3A_641, %get3A_671 : vector<16xf32>
        %get3A_673 = arith.index_cast %scan3A_637 : i32 to index
        %get3A_674 = arith.constant 64 : index
        %get3A_675 = tpu.vector_load %arg9[%get3A_673, %get3A_674] {strides = array<i32>} : memref<100x128xf32, #tpu.memory_space<vmem>>, vector<1x16xf32>,
        %get3A_676 = vector.shape_cast %get3A_675 : vector<1x16xf32> to vector<16xf32>
        %add3A_677 = arith.addf %scan3A_642, %get3A_676 : vector<16xf32>
        %get3A_678 = arith.index_cast %scan3A_637 : i32 to index
        %get3A_679 = arith.constant 80 : index
        %get3A_680 = tpu.vector_load %arg9[%get3A_678, %get3A_679] {strides = array<i32>} : memref<100x128xf32, #tpu.memory_space<vmem>>, vector<1x16xf32>,
        %get3A_681 = vector.shape_cast %get3A_680 : vector<1x16xf32> to vector<16xf32>
        %add3A_682 = arith.addf %scan3A_643, %get3A_681 : vector<16xf32>
        %get3A_683 = arith.index_cast %scan3A_637 : i32 to index
        %get3A_684 = arith.constant 96 : index
        %get3A_685 = tpu.vector_load %arg9[%get3A_683, %get3A_684] {strides = array<i32>} : memref<100x128xf32, #tpu.memory_space<vmem>>, vector<1x16xf32>,
        %get3A_686 = vector.shape_cast %get3A_685 : vector<1x16xf32> to vector<16xf32>
        %add3A_687 = arith.addf %scan3A_644, %get3A_686 : vector<16xf32>
        %get3A_688 = arith.index_cast %scan3A_637 : i32 to index
        %get3A_689 = arith.constant 112 : index
        %get3A_690 = tpu.vector_load %arg9[%get3A_688, %get3A_689] {strides = array<i32>} : memref<100x128xf32, #tpu.memory_space<vmem>>, vector<1x16xf32>,
        %get3A_691 = vector.shape_cast %get3A_690 : vector<1x16xf32> to vector<16xf32>
        %add3A_692 = arith.addf %scan3A_645, %get3A_691 : vector<16xf32>
        %add3A_693 = arith.constant 50 : i32
        %add3A_694 = arith.addi %scan3A_637, %add3A_693 : i32
        %get3A_695 = arith.index_cast %add3A_694 : i32 to index
        %get3A_696 = arith.constant 0 : index
        %get3A_697 = tpu.vector_load %arg9[%get3A_695, %get3A_696] {strides = array<i32>} : memref<100x128xf32, #tpu.memory_space<vmem>>, vector<1x16xf32>,
        %get3A_698 = vector.shape_cast %get3A_697 : vector<1x16xf32> to vector<16xf32>
        %add3A_699 = arith.addf %scan3A_646, %get3A_698 : vector<16xf32>
        %add3A_700 = arith.constant 50 : i32
        %add3A_701 = arith.addi %scan3A_637, %add3A_700 : i32
        %get3A_702 = arith.index_cast %add3A_701 : i32 to index
        %get3A_703 = arith.constant 16 : index
        %get3A_704 = tpu.vector_load %arg9[%get3A_702, %get3A_703] {strides = array<i32>} : memref<100x128xf32, #tpu.memory_space<vmem>>, vector<1x16xf32>,
        %get3A_705 = vector.shape_cast %get3A_704 : vector<1x16xf32> to vector<16xf32>
        %add3A_706 = arith.addf %scan3A_647, %get3A_705 : vector<16xf32>
        %add3A_707 = arith.constant 50 : i32
        %add3A_708 = arith.addi %scan3A_637, %add3A_707 : i32
        %get3A_709 = arith.index_cast %add3A_708 : i32 to index
        %get3A_710 = arith.constant 32 : index
        %get3A_711 = tpu.vector_load %arg9[%get3A_709, %get3A_710] {strides = array<i32>} : memref<100x128xf32, #tpu.memory_space<vmem>>, vector<1x16xf32>,
        %get3A_712 = vector.shape_cast %get3A_711 : vector<1x16xf32> to vector<16xf32>
        %add3A_713 = arith.addf %scan3A_648, %get3A_712 : vector<16xf32>
        %add3A_714 = arith.constant 50 : i32
        %add3A_715 = arith.addi %scan3A_637, %add3A_714 : i32
        %get3A_716 = arith.index_cast %add3A_715 : i32 to index
        %get3A_717 = arith.constant 48 : index
        %get3A_718 = tpu.vector_load %arg9[%get3A_716, %get3A_717] {strides = array<i32>} : memref<100x128xf32, #tpu.memory_space<vmem>>, vector<1x16xf32>,
        %get3A_719 = vector.shape_cast %get3A_718 : vector<1x16xf32> to vector<16xf32>
        %add3A_720 = arith.addf %scan3A_649, %get3A_719 : vector<16xf32>
        %add3A_721 = arith.constant 50 : i32
        %add3A_722 = arith.addi %scan3A_637, %add3A_721 : i32
        %get3A_723 = arith.index_cast %add3A_722 : i32 to index
        %get3A_724 = arith.constant 64 : index
        %get3A_725 = tpu.vector_load %arg9[%get3A_723, %get3A_724] {strides = array<i32>} : memref<100x128xf32, #tpu.memory_space<vmem>>, vector<1x16xf32>,
        %get3A_726 = vector.shape_cast %get3A_725 : vector<1x16xf32> to vector<16xf32>
        %add3A_727 = arith.addf %scan3A_650, %get3A_726 : vector<16xf32>
        %add3A_728 = arith.constant 50 : i32
        %add3A_729 = arith.addi %scan3A_637, %add3A_728 : i32
        %get3A_730 = arith.index_cast %add3A_729 : i32 to index
        %get3A_731 = arith.constant 80 : index
        %get3A_732 = tpu.vector_load %arg9[%get3A_730, %get3A_731] {strides = array<i32>} : memref<100x128xf32, #tpu.memory_space<vmem>>, vector<1x16xf32>,
        %get3A_733 = vector.shape_cast %get3A_732 : vector<1x16xf32> to vector<16xf32>
        %add3A_734 = arith.addf %scan3A_651, %get3A_733 : vector<16xf32>
        %add3A_735 = arith.constant 50 : i32
        %add3A_736 = arith.addi %scan3A_637, %add3A_735 : i32
        %get3A_737 = arith.index_cast %add3A_736 : i32 to index
        %get3A_738 = arith.constant 96 : index
        %get3A_739 = tpu.vector_load %arg9[%get3A_737, %get3A_738] {strides = array<i32>} : memref<100x128xf32, #tpu.memory_space<vmem>>, vector<1x16xf32>,
        %get3A_740 = vector.shape_cast %get3A_739 : vector<1x16xf32> to vector<16xf32>
        %add3A_741 = arith.addf %scan3A_652, %get3A_740 : vector<16xf32>
        %add3A_742 = arith.constant 50 : i32
        %add3A_743 = arith.addi %scan3A_637, %add3A_742 : i32
        %get3A_744 = arith.index_cast %add3A_743 : i32 to index
        %get3A_745 = arith.constant 112 : index
        %get3A_746 = tpu.vector_load %arg9[%get3A_744, %get3A_745] {strides = array<i32>} : memref<100x128xf32, #tpu.memory_space<vmem>>, vector<1x16xf32>,
        %get3A_747 = vector.shape_cast %get3A_746 : vector<1x16xf32> to vector<16xf32>
        %add3A_748 = arith.addf %scan3A_653, %get3A_747 : vector<16xf32>
        scf.yield %add3A_657, %add3A_662, %add3A_667, %add3A_672, %add3A_677, %add3A_682, %add3A_687, %add3A_692, %add3A_699, %add3A_706, %add3A_713, %add3A_720, %add3A_727, %add3A_734, %add3A_741, %add3A_748 : vector<16xf32>, vector<16xf32>, vector<16xf32>, vector<16xf32>, vector<16xf32>, vector<16xf32>, vector<16xf32>, vector<16xf32>, vector<16xf32>, vector<16xf32>, vector<16xf32>, vector<16xf32>, vector<16xf32>, vector<16xf32>, vector<16xf32>, vector<16xf32>
      }
      %scan3A_532 = arith.constant 50 : i32
      %mul3A_533 = arith.constant 2 : i32
      %mul3A_534 = arith.muli %mul3A_533, %add3A_488 : i32
      %swap3A_535 = arith.index_cast %mul3A_534 : i32 to index
      %swap3A_536 = arith.constant 0 : index
      %swap3A_537 = tpu.vector_load %arg10[%swap3A_535, %swap3A_536] {strides = array<i32>} : memref<128x128xf32, #tpu.memory_space<vmem>>, vector<1x16xf32>,
      %swap3A_538 = vector.shape_cast %swap3A_537 : vector<1x16xf32> to vector<16xf32>
      %swap3A_539 = vector.shape_cast %scan3A_531#0 : vector<16xf32> to vector<1x16xf32>
      tpu.vector_store %arg10[%swap3A_535, %swap3A_536], %swap3A_539 {strides = array<i32>} : memref<128x128xf32, #tpu.memory_space<vmem>>, vector<1x16xf32>,
      %add3A_540 = arith.constant 1 : i32
      %add3A_541 = arith.addi %mul3A_534, %add3A_540 : i32
      %swap3A_542 = arith.index_cast %add3A_541 : i32 to index
      %swap3A_543 = arith.constant 0 : index
      %swap3A_544 = tpu.vector_load %arg10[%swap3A_542, %swap3A_543] {strides = array<i32>} : memref<128x128xf32, #tpu.memory_space<vmem>>, vector<1x16xf32>,
      %swap3A_545 = vector.shape_cast %swap3A_544 : vector<1x16xf32> to vector<16xf32>
      %swap3A_546 = vector.shape_cast %scan3A_531#8 : vector<16xf32> to vector<1x16xf32>
      tpu.vector_store %arg10[%swap3A_542, %swap3A_543], %swap3A_546 {strides = array<i32>} : memref<128x128xf32, #tpu.memory_space<vmem>>, vector<1x16xf32>,
      %swap3A_547 = arith.index_cast %mul3A_534 : i32 to index
      %swap3A_548 = arith.constant 16 : index
      %swap3A_549 = tpu.vector_load %arg10[%swap3A_547, %swap3A_548] {strides = array<i32>} : memref<128x128xf32, #tpu.memory_space<vmem>>, vector<1x16xf32>,
      %swap3A_550 = vector.shape_cast %swap3A_549 : vector<1x16xf32> to vector<16xf32>
      %swap3A_551 = vector.shape_cast %scan3A_531#1 : vector<16xf32> to vector<1x16xf32>
      tpu.vector_store %arg10[%swap3A_547, %swap3A_548], %swap3A_551 {strides = array<i32>} : memref<128x128xf32, #tpu.memory_space<vmem>>, vector<1x16xf32>,
      %add3A_552 = arith.constant 1 : i32
      %add3A_553 = arith.addi %mul3A_534, %add3A_552 : i32
      %swap3A_554 = arith.index_cast %add3A_553 : i32 to index
      %swap3A_555 = arith.constant 16 : index
      %swap3A_556 = tpu.vector_load %arg10[%swap3A_554, %swap3A_555] {strides = array<i32>} : memref<128x128xf32, #tpu.memory_space<vmem>>, vector<1x16xf32>,
      %swap3A_557 = vector.shape_cast %swap3A_556 : vector<1x16xf32> to vector<16xf32>
      %swap3A_558 = vector.shape_cast %scan3A_531#9 : vector<16xf32> to vector<1x16xf32>
      tpu.vector_store %arg10[%swap3A_554, %swap3A_555], %swap3A_558 {strides = array<i32>} : memref<128x128xf32, #tpu.memory_space<vmem>>, vector<1x16xf32>,
      %swap3A_559 = arith.index_cast %mul3A_534 : i32 to index
      %swap3A_560 = arith.constant 32 : index
      %swap3A_561 = tpu.vector_load %arg10[%swap3A_559, %swap3A_560] {strides = array<i32>} : memref<128x128xf32, #tpu.memory_space<vmem>>, vector<1x16xf32>,
      %swap3A_562 = vector.shape_cast %swap3A_561 : vector<1x16xf32> to vector<16xf32>
      %swap3A_563 = vector.shape_cast %scan3A_531#2 : vector<16xf32> to vector<1x16xf32>
      tpu.vector_store %arg10[%swap3A_559, %swap3A_560], %swap3A_563 {strides = array<i32>} : memref<128x128xf32, #tpu.memory_space<vmem>>, vector<1x16xf32>,
      %add3A_564 = arith.constant 1 : i32
      %add3A_565 = arith.addi %mul3A_534, %add3A_564 : i32
      %swap3A_566 = arith.index_cast %add3A_565 : i32 to index
      %swap3A_567 = arith.constant 32 : index
      %swap3A_568 = tpu.vector_load %arg10[%swap3A_566, %swap3A_567] {strides = array<i32>} : memref<128x128xf32, #tpu.memory_space<vmem>>, vector<1x16xf32>,
      %swap3A_569 = vector.shape_cast %swap3A_568 : vector<1x16xf32> to vector<16xf32>
      %swap3A_570 = vector.shape_cast %scan3A_531#10 : vector<16xf32> to vector<1x16xf32>
      tpu.vector_store %arg10[%swap3A_566, %swap3A_567], %swap3A_570 {strides = array<i32>} : memref<128x128xf32, #tpu.memory_space<vmem>>, vector<1x16xf32>,
      %swap3A_571 = arith.index_cast %mul3A_534 : i32 to index
      %swap3A_572 = arith.constant 48 : index
      %swap3A_573 = tpu.vector_load %arg10[%swap3A_571, %swap3A_572] {strides = array<i32>} : memref<128x128xf32, #tpu.memory_space<vmem>>, vector<1x16xf32>,
      %swap3A_574 = vector.shape_cast %swap3A_573 : vector<1x16xf32> to vector<16xf32>
      %swap3A_575 = vector.shape_cast %scan3A_531#3 : vector<16xf32> to vector<1x16xf32>
      tpu.vector_store %arg10[%swap3A_571, %swap3A_572], %swap3A_575 {strides = array<i32>} : memref<128x128xf32, #tpu.memory_space<vmem>>, vector<1x16xf32>,
      %add3A_576 = arith.constant 1 : i32
      %add3A_577 = arith.addi %mul3A_534, %add3A_576 : i32
      %swap3A_578 = arith.index_cast %add3A_577 : i32 to index
      %swap3A_579 = arith.constant 48 : index
      %swap3A_580 = tpu.vector_load %arg10[%swap3A_578, %swap3A_579] {strides = array<i32>} : memref<128x128xf32, #tpu.memory_space<vmem>>, vector<1x16xf32>,
      %swap3A_581 = vector.shape_cast %swap3A_580 : vector<1x16xf32> to vector<16xf32>
      %swap3A_582 = vector.shape_cast %scan3A_531#11 : vector<16xf32> to vector<1x16xf32>
      tpu.vector_store %arg10[%swap3A_578, %swap3A_579], %swap3A_582 {strides = array<i32>} : memref<128x128xf32, #tpu.memory_space<vmem>>, vector<1x16xf32>,
      %swap3A_583 = arith.index_cast %mul3A_534 : i32 to index
      %swap3A_584 = arith.constant 64 : index
      %swap3A_585 = tpu.vector_load %arg10[%swap3A_583, %swap3A_584] {strides = array<i32>} : memref<128x128xf32, #tpu.memory_space<vmem>>, vector<1x16xf32>,
      %swap3A_586 = vector.shape_cast %swap3A_585 : vector<1x16xf32> to vector<16xf32>
      %swap3A_587 = vector.shape_cast %scan3A_531#4 : vector<16xf32> to vector<1x16xf32>
      tpu.vector_store %arg10[%swap3A_583, %swap3A_584], %swap3A_587 {strides = array<i32>} : memref<128x128xf32, #tpu.memory_space<vmem>>, vector<1x16xf32>,
      %add3A_588 = arith.constant 1 : i32
      %add3A_589 = arith.addi %mul3A_534, %add3A_588 : i32
      %swap3A_590 = arith.index_cast %add3A_589 : i32 to index
      %swap3A_591 = arith.constant 64 : index
      %swap3A_592 = tpu.vector_load %arg10[%swap3A_590, %swap3A_591] {strides = array<i32>} : memref<128x128xf32, #tpu.memory_space<vmem>>, vector<1x16xf32>,
      %swap3A_593 = vector.shape_cast %swap3A_592 : vector<1x16xf32> to vector<16xf32>
      %swap3A_594 = vector.shape_cast %scan3A_531#12 : vector<16xf32> to vector<1x16xf32>
      tpu.vector_store %arg10[%swap3A_590, %swap3A_591], %swap3A_594 {strides = array<i32>} : memref<128x128xf32, #tpu.memory_space<vmem>>, vector<1x16xf32>,
      %swap3A_595 = arith.index_cast %mul3A_534 : i32 to index
      %swap3A_596 = arith.constant 80 : index
      %swap3A_597 = tpu.vector_load %arg10[%swap3A_595, %swap3A_596] {strides = array<i32>} : memref<128x128xf32, #tpu.memory_space<vmem>>, vector<1x16xf32>,
      %swap3A_598 = vector.shape_cast %swap3A_597 : vector<1x16xf32> to vector<16xf32>
      %swap3A_599 = vector.shape_cast %scan3A_531#5 : vector<16xf32> to vector<1x16xf32>
      tpu.vector_store %arg10[%swap3A_595, %swap3A_596], %swap3A_599 {strides = array<i32>} : memref<128x128xf32, #tpu.memory_space<vmem>>, vector<1x16xf32>,
      %add3A_600 = arith.constant 1 : i32
      %add3A_601 = arith.addi %mul3A_534, %add3A_600 : i32
      %swap3A_602 = arith.index_cast %add3A_601 : i32 to index
      %swap3A_603 = arith.constant 80 : index
      %swap3A_604 = tpu.vector_load %arg10[%swap3A_602, %swap3A_603] {strides = array<i32>} : memref<128x128xf32, #tpu.memory_space<vmem>>, vector<1x16xf32>,
      %swap3A_605 = vector.shape_cast %swap3A_604 : vector<1x16xf32> to vector<16xf32>
      %swap3A_606 = vector.shape_cast %scan3A_531#13 : vector<16xf32> to vector<1x16xf32>
      tpu.vector_store %arg10[%swap3A_602, %swap3A_603], %swap3A_606 {strides = array<i32>} : memref<128x128xf32, #tpu.memory_space<vmem>>, vector<1x16xf32>,
      %swap3A_607 = arith.index_cast %mul3A_534 : i32 to index
      %swap3A_608 = arith.constant 96 : index
      %swap3A_609 = tpu.vector_load %arg10[%swap3A_607, %swap3A_608] {strides = array<i32>} : memref<128x128xf32, #tpu.memory_space<vmem>>, vector<1x16xf32>,
      %swap3A_610 = vector.shape_cast %swap3A_609 : vector<1x16xf32> to vector<16xf32>
      %swap3A_611 = vector.shape_cast %scan3A_531#6 : vector<16xf32> to vector<1x16xf32>
      tpu.vector_store %arg10[%swap3A_607, %swap3A_608], %swap3A_611 {strides = array<i32>} : memref<128x128xf32, #tpu.memory_space<vmem>>, vector<1x16xf32>,
      %add3A_612 = arith.constant 1 : i32
      %add3A_613 = arith.addi %mul3A_534, %add3A_612 : i32
      %swap3A_614 = arith.index_cast %add3A_613 : i32 to index
      %swap3A_615 = arith.constant 96 : index
      %swap3A_616 = tpu.vector_load %arg10[%swap3A_614, %swap3A_615] {strides = array<i32>} : memref<128x128xf32, #tpu.memory_space<vmem>>, vector<1x16xf32>,
      %swap3A_617 = vector.shape_cast %swap3A_616 : vector<1x16xf32> to vector<16xf32>
      %swap3A_618 = vector.shape_cast %scan3A_531#14 : vector<16xf32> to vector<1x16xf32>
      tpu.vector_store %arg10[%swap3A_614, %swap3A_615], %swap3A_618 {strides = array<i32>} : memref<128x128xf32, #tpu.memory_space<vmem>>, vector<1x16xf32>,
      %swap3A_619 = arith.index_cast %mul3A_534 : i32 to index
      %swap3A_620 = arith.constant 112 : index
      %swap3A_621 = tpu.vector_load %arg10[%swap3A_619, %swap3A_620] {strides = array<i32>} : memref<128x128xf32, #tpu.memory_space<vmem>>, vector<1x16xf32>,
      %swap3A_622 = vector.shape_cast %swap3A_621 : vector<1x16xf32> to vector<16xf32>
      %swap3A_623 = vector.shape_cast %scan3A_531#7 : vector<16xf32> to vector<1x16xf32>
      tpu.vector_store %arg10[%swap3A_619, %swap3A_620], %swap3A_623 {strides = array<i32>} : memref<128x128xf32, #tpu.memory_space<vmem>>, vector<1x16xf32>,
      %add3A_624 = arith.constant 1 : i32
      %add3A_625 = arith.addi %mul3A_534, %add3A_624 : i32
      %swap3A_626 = arith.index_cast %add3A_625 : i32 to index
      %swap3A_627 = arith.constant 112 : index
      %swap3A_628 = tpu.vector_load %arg10[%swap3A_626, %swap3A_627] {strides = array<i32>} : memref<128x128xf32, #tpu.memory_space<vmem>>, vector<1x16xf32>,
      %swap3A_629 = vector.shape_cast %swap3A_628 : vector<1x16xf32> to vector<16xf32>
      %swap3A_630 = vector.shape_cast %scan3A_531#15 : vector<16xf32> to vector<1x16xf32>
      tpu.vector_store %arg10[%swap3A_626, %swap3A_627], %swap3A_630 {strides = array<i32>} : memref<128x128xf32, #tpu.memory_space<vmem>>, vector<1x16xf32>,
      %lt3A_631 = arith.constant 15 : i32
      %lt3A_632 = arith.cmpi slt, %scan3A_36, %lt3A_631 : i32
      %convert_element_type3A_633 = arith.extui %lt3A_632 : i1 to i32
      %cond3A_634 = arith.constant 0 : i32
      %cond3A_635 = arith.cmpi ne, %convert_element_type3A_633, %cond3A_634 : i32
      scf.if %cond3A_635 {
        %add3A_637 = arith.constant 4 : i32
        %add3A_638 = arith.addi %add3A_488, %add3A_637 : i32
        %dma_start3A_639 = arith.constant 0 : i32
        %dma_start3A_640 = tpu.memref_slice %arg5[%add3A_638, %dma_start3A_639] : memref<64x100xi32, #tpu.memory_space<vmem>> -> memref<1x100xi32, #tpu.memory_space<vmem>>
        %dma_start3A_641 = tpu.memref_squeeze %dma_start3A_640 : memref<1x100xi32, #tpu.memory_space<vmem>> -> memref<100xi32, #tpu.memory_space<vmem>>
        %dma_start3A_642 = arith.constant 0 : i32
        %dma_start3A_643 = arith.constant 0 : i32
        %dma_start3A_644 = tpu.memref_slice %arg3[%dma_start3A_642, %dma_start3A_643] : memref<100001x128xf32, #tpu.memory_space<hbm>> -> memref<100001x128xf32, #tpu.memory_space<hbm>>
        tpu.enqueue_indirect_dma source(%dma_start3A_644 : memref<100001x128xf32, #tpu.memory_space<hbm>>) target(%arg9 : memref<100x128xf32, #tpu.memory_space<vmem>>) offsets(%dma_start3A_641 : memref<100xi32, #tpu.memory_space<vmem>>) semaphore(%arg14 : memref<!tpu.dma_semaphore, #tpu.memory_space<semaphore_mem>>)
      } else {
      }
      %scan3A_636 = arith.constant 0 : i32
      scf.yield %scan3A_636 : i32
    }
    %scan3A_33 = arith.constant 16 : i32
    %mul3A_34 = arith.constant 128 : i32
    %mul3A_35 = arith.muli %add3A, %mul3A_34 : i32
    "tpu.region"() ({
      %run_scoped3A = tpu.sem_alloc : memref<!tpu.dma_semaphore, #tpu.memory_space<semaphore_mem>>
      %dma_start3A_36 = arith.constant 0 : i32
      %dma_start3A_37 = tpu.memref_slice %arg4[%mul3A_35, %dma_start3A_36] : memref<4096x128xf32, #tpu.memory_space<hbm>> -> memref<128x128xf32, #tpu.memory_space<hbm>>
      %dma_start3A_38 = arith.constant 0 : i32
      %dma_start3A_39 = tpu.memref_slice %arg4[%mul3A_35, %dma_start3A_38] : memref<4096x128xf32, #tpu.memory_space<hbm>> -> memref<128x128xf32, #tpu.memory_space<hbm>>
      tpu.enqueue_dma source(%arg10 : memref<128x128xf32, #tpu.memory_space<vmem>>) target(%dma_start3A_39 : memref<128x128xf32, #tpu.memory_space<hbm>>) target_semaphore(%run_scoped3A : memref<!tpu.dma_semaphore, #tpu.memory_space<semaphore_mem>>)
      %dma_wait3A = arith.constant 0 : i32
      %dma_wait3A_40 = tpu.memref_slice %arg4[%mul3A_35, %dma_wait3A] : memref<4096x128xf32, #tpu.memory_space<hbm>> -> memref<128x128xf32, #tpu.memory_space<hbm>>
      %dma_wait3A_41 = arith.constant 0 : i32
      %dma_wait3A_42 = tpu.memref_slice %arg4[%mul3A_35, %dma_wait3A_41] : memref<4096x128xf32, #tpu.memory_space<hbm>> -> memref<128x128xf32, #tpu.memory_space<hbm>>
      tpu.wait_dma2 semaphore(%run_scoped3A : memref<!tpu.dma_semaphore, #tpu.memory_space<semaphore_mem>>) src(%arg10 : memref<128x128xf32, #tpu.memory_space<vmem>>) dst(%dma_wait3A_42 : memref<128x128xf32, #tpu.memory_space<hbm>>)
      tpu.yield
    }) : () -> ()
    return
  }
}

module attributes {stable_mosaic.version = 14 : i64} {
  func.func @_mlp_body(%arg0: i32, %arg1: memref<4096x128xf32, #tpu.memory_space<vmem>>, %arg2: memref<128x512xf32, #tpu.memory_space<vmem>>, %arg3: memref<1x512xf32, #tpu.memory_space<vmem>>, %arg4: memref<512x128xf32, #tpu.memory_space<vmem>>, %arg5: memref<1x128xf32, #tpu.memory_space<vmem>>, %arg6: memref<4096x128xf32, #tpu.memory_space<vmem>>) attributes {dimension_semantics = [#tpu.dimension_semantics<arbitrary>], iteration_bounds = array<i64: 1>, scalar_prefetch = 0 : i64, scratch_operands = 0 : i64, tpu.core_type = #tpu.core_type<tc>, window_params = [{transform_indices = @transform_0, window_bounds = array<i64: 4096, 128>}, {pipeline_mode = #tpu.pipeline_mode<synchronous>, transform_indices = @transform_1, window_bounds = array<i64: 128, 512>}, {pipeline_mode = #tpu.pipeline_mode<synchronous>, transform_indices = @transform_2, window_bounds = array<i64: 1, 512>}, {pipeline_mode = #tpu.pipeline_mode<synchronous>, transform_indices = @transform_3, window_bounds = array<i64: 512, 128>}, {pipeline_mode = #tpu.pipeline_mode<synchronous>, transform_indices = @transform_4, window_bounds = array<i64: 1, 128>}, {transform_indices = @transform_5, window_bounds = array<i64: 4096, 128>}]} {
    %get3A = arith.constant 0 : index
    %get3A_0 = arith.constant 0 : index
    %get3A_1 = vector.load %arg1[%get3A, %get3A_0] : memref<4096x128xf32, #tpu.memory_space<vmem>>, vector<4096x128xf32>
    %mul3A = arith.constant 2.000000e-02 : f32
    %mul3A_2 = vector.broadcast %mul3A : f32 to vector<4096x128xf32>
    %mul3A_3 = arith.mulf %get3A_1, %mul3A_2 : vector<4096x128xf32>
    %get3A_4 = arith.constant 0 : index
    %get3A_5 = arith.constant 0 : index
    %get3A_6 = vector.load %arg2[%get3A_4, %get3A_5] : memref<128x512xf32, #tpu.memory_space<vmem>>, vector<128x512xf32>
    %dot_general3A = arith.constant dense<0.000000e+00> : vector<4096x512xf32>
    %dot_general3A_7 = tpu.matmul %mul3A_3, %get3A_6, %dot_general3A {dimension_numbers = #tpu.dot_dimension_numbers<[1], [0], [0], [1], [0, 0, 1, 1], [], []>, transpose_lhs_hint = false} : vector<4096x128xf32>, vector<128x512xf32>, vector<4096x512xf32> -> vector<4096x512xf32>
    %get3A_8 = arith.constant 0 : index
    %get3A_9 = arith.constant 0 : index
    %get3A_10 = vector.load %arg3[%get3A_8, %get3A_9] : memref<1x512xf32, #tpu.memory_space<vmem>>, vector<1x512xf32>
    %add3A = vector.broadcast %get3A_10 : vector<1x512xf32> to vector<4096x512xf32>
    %add3A_11 = arith.addf %dot_general3A_7, %add3A : vector<4096x512xf32>
    %max3A = arith.constant 0.000000e+00 : f32
    %max3A_12 = vector.broadcast %max3A : f32 to vector<4096x512xf32>
    %max3A_13 = arith.maximumf %add3A_11, %max3A_12 : vector<4096x512xf32>
    %get3A_14 = arith.constant 0 : index
    %get3A_15 = arith.constant 0 : index
    %get3A_16 = vector.load %arg4[%get3A_14, %get3A_15] : memref<512x128xf32, #tpu.memory_space<vmem>>, vector<512x128xf32>
    %dot_general3A_17 = arith.constant dense<0.000000e+00> : vector<4096x128xf32>
    %dot_general3A_18 = tpu.matmul %max3A_13, %get3A_16, %dot_general3A_17 {dimension_numbers = #tpu.dot_dimension_numbers<[1], [0], [0], [1], [0, 0, 1, 1], [], []>, transpose_lhs_hint = false} : vector<4096x512xf32>, vector<512x128xf32>, vector<4096x128xf32> -> vector<4096x128xf32>
    %get3A_19 = arith.constant 0 : index
    %get3A_20 = arith.constant 0 : index
    %get3A_21 = vector.load %arg5[%get3A_19, %get3A_20] : memref<1x128xf32, #tpu.memory_space<vmem>>, vector<1x128xf32>
    %add3A_22 = vector.broadcast %get3A_21 : vector<1x128xf32> to vector<4096x128xf32>
    %add3A_23 = arith.addf %dot_general3A_18, %add3A_22 : vector<4096x128xf32>
    %swap3A = arith.constant 0 : index
    %swap3A_24 = arith.constant 0 : index
    %swap3A_25 = vector.load %arg6[%swap3A, %swap3A_24] : memref<4096x128xf32, #tpu.memory_space<vmem>>, vector<4096x128xf32>
    tpu.vector_store %arg6[%swap3A, %swap3A_24], %add3A_23 {strides = array<i32>} : memref<4096x128xf32, #tpu.memory_space<vmem>>, vector<4096x128xf32>,
    return
  }
  func.func @transform_0(%arg0: i32) -> (i32, i32) {
    %c0_i32 = arith.constant 0 : i32
    %c0_i32_0 = arith.constant 0 : i32
    return %arg0, %c0_i32 : i32, i32
  }
  func.func @transform_1(%arg0: i32) -> (i32, i32) {
    %c0_i32 = arith.constant 0 : i32
    %c0_i32_0 = arith.constant 0 : i32
    %c0_i32_1 = arith.constant 0 : i32
    return %c0_i32, %c0_i32_0 : i32, i32
  }
  func.func @transform_2(%arg0: i32) -> (i32, i32) {
    %c0_i32 = arith.constant 0 : i32
    %c0_i32_0 = arith.constant 0 : i32
    %c0_i32_1 = arith.constant 0 : i32
    return %c0_i32, %c0_i32_0 : i32, i32
  }
  func.func @transform_3(%arg0: i32) -> (i32, i32) {
    %c0_i32 = arith.constant 0 : i32
    %c0_i32_0 = arith.constant 0 : i32
    %c0_i32_1 = arith.constant 0 : i32
    return %c0_i32, %c0_i32_0 : i32, i32
  }
  func.func @transform_4(%arg0: i32) -> (i32, i32) {
    %c0_i32 = arith.constant 0 : i32
    %c0_i32_0 = arith.constant 0 : i32
    %c0_i32_1 = arith.constant 0 : i32
    return %c0_i32, %c0_i32_0 : i32, i32
  }
  func.func @transform_5(%arg0: i32) -> (i32, i32) {
    %c0_i32 = arith.constant 0 : i32
    %c0_i32_0 = arith.constant 0 : i32
    return %arg0, %c0_i32 : i32, i32
  }
}

</mosaic_0001>

<sc_bundles>
// kernel: kernel.4.cloned.1.call-start
scs
__scs_entry_jumppad:
0x0: {  	(pc) =	sbr.rel $0x88, $3  }
0x1: {  	(tag) =	ssettag $0x0;
	lr =	simm.s32 $0x1  }
0x2: {  	[smem:$0x3F9B] =	sst lr;
	_ =	strace $0xD0000000  }
0x3: {  	_ = 	snop  }
0x4: {  	_ = 	snop  }
0x5: {  	_ = 	snop  }
0x6: {  	_ = 	snop  }
0x7: {  	_ = 	snop  }
__scs_overlays_trampoline_lowered:
0x8: {  	[smem:$0x3FAA] =	sst s0  }
0x9: {  	[smem:$0x3FAB] =	sst s1  }
0xa: {  	[smem:$0x3FAC] =	sst s2  }
0xb: {  	[smem:$0x3FAD] =	sst s3  }
0xc: {  	[smem:$0x3FAE] =	sst s4  }
0xd: {  	[smem:$0x3FAF] =	sst s5  }
0xe: {  	[smem:$0x3FB0] =	sst s6  }
0xf: {  	[smem:$0x3FB1] =	sst s7  }
0x10: {  	[smem:$0x3FB2] =	sst s8  }
0x11: {  	[smem:$0x3FB3] =	sst s9;
	s0 =	simm.s32 @!p0 $0x0  }
0x12: {  	s1 =	sld [smem:$0x3F99];
	s0 =	simm.s32 @p0 $0x1  }
0x13: {  	[smem:$0x3FB4] =	sst s0;
	s0 =	simm.s32 @!p1 $0x0  }
0x14: {  	s2 =	sld [smem:$0x3F98];
	s0 =	simm.s32 @p1 $0x1  }
0x15: {  	[smem:$0x3FB5] =	sst s0;
	s0 =	simm.s32 @!p2 $0x0  }
0x16: {  	s3 =	sld [smem:$0x3FDB];
	s0 =	simm.s32 @p2 $0x1  }
0x17: {  	s4 =	simm.s32 $0x1BF5;
	[smem:$0x3FB7] =	sst s0  }
0x18: {  	s0 =	sld [smem:$0x3F9A];
	_ =	swait.ge [sflag:s4], $0x0  }
0x19: {  	s7 =	sld [smem:$0x3F9B]  }
0x1a: {  	s8 =	sadd.s32 $0xFFFFE003, lr  }
0x1b: {  	s9 =	sadd.s32 $0xFFFFFEF7, lr;
	s5 =	simm.s32 $0xFFFFFFFF;
	p2 =	slt.u32 s8, $0xFFFFF086  }
0x1c: {  	p1 =	slt.u32 s9, $0xF7A;
	s5 =	simm.s32 @!p2 $0x0  }
0x1d: {  	s5 =	simm.s32 @p1 $0x1;
	p0 =	seq.s32 s7, s2  }
0x1e: {  	s7 =	smul.u32 @!p0 $0xF7A, s2;
	p2 =	seq.s32 @!p0 s5, $0x0  }
0x1f: {  	s9 =	smul.u32 $0xF7A, s1;
	s8 =	simm.s32 @!p0 $0x1BF5;
	p2 =	por !p2, p0  }
0x20: {  	[sflag:s8] =	ssyncset.s32 @!p0 $0xFFFFF086;
	s6 =	sadd.s32 @!p0 s3, s7;
	s7 =	simm.s32 @!p0 $0x108  }
0x21: {  	s3 =	sadd.s32 s3, s9;
	s6 =	sadd.s32 @!p0 $0x88, s6;
	s7 =	simm.s32 @p2 $0x1082  }
0x22: {  	[simem:s7], [sflag:s8] =	dma.local @!p0 [hbm:s6], $0xF7A  }
0x23: {  	s9 =	sor.u32 $0xD0000000, s2;
	s6 =	simm.s32 $0x108;
	_ =	swait.ge @!p0 [sflag:s8], $0x0  }
0x24: {  	s3 =	sadd.s32 $0x88, s3;
	s6 =	simm.s32 @!p1 $0x1082;
	[sflag:s4] =	ssyncset.s32 $0xFFFFF086  }
0x25: {  	[simem:s6], [sflag:s4] =	dma.local [hbm:s3], $0xF7A  }
0x26: {  	[smem:$0x3F9B] =	sst s1;
	(tag) =	ssettag s2;
	_ =	strace s9  }
0x27: {  	s1 =	sld [smem:$0x3FAB]  }
0x28: {  	s2 =	sld [smem:$0x3FAC]  }
0x29: {  	s4 =	sld [smem:$0x3FAE]  }
0x2a: {  	p0 =	seq.s32 s5, $0x0;
	s5 =	sld [smem:$0x3FAF]  }
0x2b: {  	s6 =	sld [smem:$0x3FB0]  }
0x2c: {  	s7 =	sld [smem:$0x3FB1]  }
0x2d: {  	s3 =	simm.s32 $0x108;
	s8 =	sld [smem:$0x3FB2]  }
0x2e: {  	s3 =	simm.s32 @!p0 $0x1082;
	s9 =	sld [smem:$0x3FB3]  }
0x2f: {  	lr =	sadd.s32 s0, s3;
	s0 =	sld [smem:$0x3FAA]  }
0x30: {  	s3 =	sld [smem:$0x3FAD]  }
0x31: {  	[smem:$0x3FB6] =	sst s10  }
0x32: {  	s10 =	sld [smem:$0x3FB4];
	_ =	sdelay $0x3  }
0x33: {  	p0 =	seq.s32 s10, $0x1;
	s10 =	sld [smem:$0x3FB6];
	_ =	sdelay $0x3  }
0x34: {  	[smem:$0x3FB6] =	sst s10  }
0x35: {  	s10 =	sld [smem:$0x3FB5];
	_ =	sdelay $0x3  }
0x36: {  	p1 =	seq.s32 s10, $0x1;
	s10 =	sld [smem:$0x3FB6];
	_ =	sdelay $0x3  }
0x37: {  	[smem:$0x3FB6] =	sst s10  }
0x38: {  	s10 =	sld [smem:$0x3FB7]  }
0x39: {  	_ = 	snop;
	(pc) =	sbr.ind lr, $3  }
0x3a: {  	_ = 	snop  }
0x3b: {  	_ = 	snop  }
0x3c: {  	p2 =	seq.s32 s10, $0x1;
	s10 =	sld [smem:$0x3FB6]  }
0x3d: {  	_ =	shalt  }
0x3e: {  	_ =	shalt  }
0x3f: {  	_ =	shalt  }
0x40: {  	_ =	shalt  }
0x41: {  	_ =	shalt  }
0x42: {  	_ =	shalt  }
0x43: {  	_ =	shalt  }
0x44: {  	_ =	shalt  }
0x45: {  	_ =	shalt  }
0x46: {  	_ =	shalt  }
0x47: {  	_ =	shalt  }
0x48: {  	_ =	shalt  }
0x49: {  	_ =	shalt  }
0x4a: {  	_ =	shalt  }
0x4b: {  	_ =	shalt  }
0x4c: {  	_ =	shalt  }
0x4d: {  	_ =	shalt  }
0x4e: {  	_ =	shalt  }
0x4f: {  	_ =	shalt  }
0x50: {  	_ =	shalt  }
0x51: {  	_ =	shalt  }
0x52: {  	_ =	shalt  }
0x53: {  	_ =	shalt  }
0x54: {  	_ =	shalt  }
0x55: {  	_ =	shalt  }
0x56: {  	_ =	shalt  }
0x57: {  	_ =	shalt  }
0x58: {  	_ =	shalt  }
0x59: {  	_ =	shalt  }
0x5a: {  	_ =	shalt  }
0x5b: {  	_ =	shalt  }
0x5c: {  	_ =	shalt  }
0x5d: {  	_ =	shalt  }
0x5e: {  	_ =	shalt  }
0x5f: {  	_ =	shalt  }
0x60: {  	_ =	shalt  }
0x61: {  	_ =	shalt  }
0x62: {  	_ =	shalt  }
0x63: {  	_ =	shalt  }
0x64: {  	_ =	shalt  }
0x65: {  	_ =	shalt  }
0x66: {  	_ =	shalt  }
0x67: {  	_ =	shalt  }
0x68: {  	_ =	shalt  }
0x69: {  	_ =	shalt  }
0x6a: {  	_ =	shalt  }
0x6b: {  	_ =	shalt  }
0x6c: {  	_ =	shalt  }
0x6d: {  	_ =	shalt  }
0x6e: {  	_ =	shalt  }
0x6f: {  	_ =	shalt  }
0x70: {  	_ =	shalt  }
0x71: {  	_ =	shalt  }
0x72: {  	_ =	shalt  }
0x73: {  	_ =	shalt  }
0x74: {  	_ =	shalt  }
0x75: {  	_ =	shalt  }
0x76: {  	_ =	shalt  }
0x77: {  	_ =	shalt  }
0x78: {  	_ =	shalt  }
0x79: {  	_ =	shalt  }
0x7a: {  	_ =	shalt  }
0x7b: {  	_ =	shalt  }
0x7c: {  	_ =	shalt  }
0x7d: {  	_ =	shalt  }
0x7e: {  	_ =	shalt  }
0x7f: {  	_ =	shalt  }
0x80: {  	_ =	shalt  }
0x81: {  	_ =	shalt  }
0x82: {  	_ =	shalt  }
0x83: {  	_ =	shalt  }
0x84: {  	_ =	shalt  }
0x85: {  	_ =	shalt  }
0x86: {  	_ =	shalt  }
0x87: {  	_ =	shalt  }
.Lfunc_end0:
.L_simem_size_0:
called_computation_lowered:
.L_overlay_start_0:
0x88: {  	s2 =	sld [smem:$0x3FD9]  }
0x89: {  	s3 =	sld [smem:$0x3FFE];
	_ =	sdelay $0x1  }
0x8a: {  	s1 =	srdreg.scid  }
0x8b: {  	s0 =	sand.u32 $0x1, s1  }
0x8c: {  	s17 =	sshll.u32 s0, $0xA;
	s2 =	sadd.s32 s3, s2  }
0x8d: {  	s2 =	sadd.s32 s2, s17  }
0x8e: {  	[smem:$0x3FC2] =	sst s2  }
0x8f: {  	_ = 	snop  }
0x90: {  	s2 =	sld [smem:$0x3FC8]  }
0x91: {  	s18 =	sld [smem:$0x3FD0];
	(tm) =	ssettm $0x1  }
0x92: {  	s4 =	sld [smem:$0x3FFB];
	_ =	sdelay $0x3  }
0x93: {  	_ =	strace s4  }
0x94: {  	s4 =	sld [smem:$0x3FFC];
	_ =	sdelay $0x3  }
0x95: {  	_ =	strace s4  }
0x96: {  	s4 =	sld [smem:$0x3FFD];
	_ =	sdelay $0x3  }
0x97: {  	_ =	strace s4  }
0x98: {  	_ =	strace $0x8FFFFFFF  }
0x99: {  	s19 =	sld [smem:$0x3FDB];
	_ =	sdelay $0x1  }
0x9a: {  	s5 =	simm.s32 $_scs_section_size  }
0x9b: {  	s6 =	simm.s32 $_size__tile_overlayer_lowered;
	s7 =	simm.s32 $_tile_overlayer_lowered  }
0x9c: {  	s22 =	simm.s32 $0x1BFF;
	s21 =	sshll.u32 s7, $0x1;
	s4 =	sadd.s32 s5, s19  }
0x9d: {  	s8 =	simm.s32 $0x0;
	s20 =	sshll.u32 s6, $0x1;
	s6 =	sadd.s32 s21, s4  }
0x9e: {  	[timem:s8], [sflag:s22] =	dma.local [hbm:s6], s20  }
0x9f: {  	_ =	swait.ge [sflag:s22], s20  }
0xa0: {  	s5 =	ssub.s32 $0x0, s20;
	[sflag:s22] =	ssyncset.done $0x0  }
0xa1: {  	[sflag:s22] =	ssyncadd.s32 s5;
	_ =	sdelay $0x1  }
0xa2: {  	s23 =	simm.s32 $0x1B8B  }
0xa3: {  	_ =	swait.ge [sflag:s23], $0x1  }
0xa4: {  	[sflag:s23] =	ssyncset.done $0x0  }
0xa5: {  	s25 =	simm.s32 $0x1B8E;
	s24 =	sld [smem:$0x3FFE];
	[sflag:s23] =	ssyncadd.s32 $0xFFFFFFFF  }
0xa6: {  	s26 =	simm.s32 $execute0_lowered;
	[smem:$0x3FD2] =	sst s25  }
0xa7: {  	s6 =	sshll.u32 s26, $0x1;
	_ =	strace $0x80000046;
	[dreg:$0x1] =	wrdreg $0xFFFFFFFF  }
0xa8: {  	s28 =	simm.s32 $_size_execute0_lowered;
	s4 =	sadd.s32 s4, s6;
	[dreg:$0x0] =	wrdreg $0x0  }
0xa9: {  	s6 =	sshll.u32 s28, $0x1;
	[dreg:$0x2] =	wrdreg s4  }
0xaa: {  	[dreg:$0x3] =	wrdreg s6  }
0xab: {  	[dreg:$0x4] =	wrdreg $0xC0  }
0xac: {  	_ =	task [dreg:s8], $0x5FFFF  }
0xad: {  	[dreg:$0x1] =	wrdreg $0xFFFFFFFF  }
0xae: {  	[dreg:$0x0] =	wrdreg $0x60  }
0xaf: {  	[dreg:$0x2] =	wrdreg s24  }
0xb0: {  	[dreg:$0x3] =	wrdreg s2  }
0xb1: {  	[dreg:$0x4] =	wrdreg s18  }
0xb2: {  	[dreg:$0x5] =	wrdreg $0x9  }
0xb3: {  	_ =	task.clear_ibuf [dreg:s8], $0x6FFFF;
	_ =	strace $0x90000046  }
0xb4: {  	s29 =	simm.s32 $0x9;
	_ =	strace $0x80000048  }
0xb5: {  	_ =	swait.ge [sflag:s29], $0x1  }
0xb6: {  	[sflag:s29] =	ssyncadd.s32 $0xFFFFFFFF  }
0xb7: {  	_ =	strace $0x90000048  }
0xb8: {  	_ =	sfence  }
0xb9: {  	s30 =	sld [smem:$0x0];
	_ =	sdelay $0x2  }
0xba: {  	s31 =	sshll.u32 s1, $0xD;
	s1 =	sshrl.u32 s1, $0x2  }
0xbb: {  	s3 =	sand.u32 $0x4000, s31;
	s1 =	sadd.s32 s1, s30  }
0xbc: {  	s0 =	sor.u32 s3, s0;
	s1 =	sshll.u32 s1, $0x11  }
0xbd: {  	s0 =	sor.u32 s1, s0  }
0xbe: {  	s0 =	sadd.s32 $0x8F2B, s0  }
0xbf: {  	[sflag:s0] =	ssyncadd.remote.s32 $0x1  }
0xc0: {  	_ =	sfence.sel $0xFFFF  }
0xc1: {  	[dreg:$0x0] =	wrdreg $0xFFFFFFFF;
	(pc) =	sbr.abs _section_cstart, $3  }
0xc2: {  	[dreg:$0x1] =	wrdreg $0xFFFFFFFF  }
0xc3: {  	_ =	task.clear_ibuf [dreg:s8], $0x2FFFF;
	_ =	strace $0x9FFFFFFF  }
0xc4: {  	(tm) =	ssettm $0x7FFFFFFF  }
0xc5: {  	_ =	shalt  }
tec
execute0_lowered:
.L_overlay_start_1:
0x0: {  	(tag) =	ssettag $0x1  }
0x1: {  	s4 =	rddreg [dreg:$0x0]  }
0x2: {  	s2 =	rddreg [dreg:$0x1]  }
0x3: {  	s5 =	rddreg [dreg:$0x2]  }
0x4: {  	s0 =	rddreg [dreg:$0x3]  }
0x5: {  	s6 =	srdreg.scid;
	s1 =	stileid.u32;
	s3 =	simm.s32 $0x0  }
0x6: {  	s10 =	simm.s32 $0x80;
	s11 =	simm.s32 $0x5400;
	s12 =	simm.s32 $0x100  }
0x7: {  	s13 =	simm.s32 $0x8800;
	s14 =	simm.s32 $0x180;
	s15 =	simm.s32 $0xBC00  }
0x8: {  	s16 =	simm.s32 $0x1;
	s17 =	simm.s32 $0x2;
	s18 =	simm.s32 $0x3  }
0x9: {  	s19 =	simm.s32 $0x4;
	s20 =	simm.s32 $0xF000;
	s21 =	simm.s32 $0x0  }
0xa: {  	s6 =	sand.u32 $0x1, s6;
	s7 =	sshll.u32 s1, $0x1;
	[smem:$0x7FF] =	sst s3  }
.Ltmp0:
0xb: {  	s7 =	sor.u32 s6, s7;
	s6 =	ssub.s32 $0x2, s6;
	(pc) =	sbr.rel .LBB2_1-.Ltmp0, $4  }
0xc: {  	_ =	strace $0x80000047;
	s8 =	sshll.u32 s7, $0xA;
	s9 =	sshrl.u32 s6, $0x1  }
0xd: {  	s7 =	sshll.u32 s7, $0xB;
	s4 =	sadd.s32 s8, s4;
	s6 =	ssub.s32 s6, s9  }
0xe: {  	s5 =	sadd.s32 s5, s7;
	s7 =	simm.s32 $0x5;
	s8 =	simm.s32 $0x64  }
0xf: {  	s9 =	simm.s32 $0x2000;
	s4 =	sadd.s32 $0xE00, s4;
	s6 =	smax.u32 s6, $0x1  }
.LBB2_12:
0x10: {  	s21 =	sadd.s32 $0x1, s21  }
0x11: {  	p0 =	sne.s32 s21, s6  }
.Ltmp1:
0x12: {  	_ = 	snop;
	(pc) =	sbr.rel @!p0 .LBB2_13-.Ltmp1, $4  }
0x13: {  	[hbm4b:s5+s3] =	stream.linear.scatter [tilespmem:s20], [sflag:$0x5], $0x4000, $0x38;
	[tilespmem:$0x13000] =	vst v63  }
0x14: {  	_ =	swait.ge [sflag:s7], $0x4000  }
0x15: {  	[sflag:s7] =	ssyncset.done $0x0  }
0x16: {  	[sflag:s7] =	ssyncadd.s32 $0xFFFFC000  }
.LBB2_1:
0x17: {  	[tilespmem:s3], [sflag:$0x5] =	stream.linear.gather [hbm4b:s4+s3], $0x2000, $0x38;
	[tilespmem:$0x13000] =	vst v63  }
0x18: {  	_ =	swait.ge [sflag:s7], $0x2000  }
0x19: {  	[sflag:s7] =	ssyncset.done $0x0  }
0x1a: {  	[sflag:s7] =	ssyncadd.s32 $0xFFFFE000  }
0x1b: {  	[tilespmem:s9], [sflag:$0x1] =	stream.indirect.gather [hbm4b:s2+s8], $0x80, s3, s8, $0xb8;
	[tilespmem:$0x13000] =	vst v63  }
0x1c: {  	_ = 	snop  }
0x1d: {  	[tilespmem:s11], [sflag:$0x2] =	stream.indirect.gather [hbm4b:s2+s8], $0x80, s10, s8, $0xb8;
	[tilespmem:$0x13000] =	vst v63  }
0x1e: {  	_ = 	snop  }
0x1f: {  	[tilespmem:s13], [sflag:$0x3] =	stream.indirect.gather [hbm4b:s2+s8], $0x80, s12, s8, $0xb8;
	[tilespmem:$0x13000] =	vst v63  }
0x20: {  	s22 =	simm.s32 $0x0  }
0x21: {  	[tilespmem:s15], [sflag:$0x4] =	stream.indirect.gather [hbm4b:s2+s8], $0x80, s14, s8, $0xb8;
	[tilespmem:$0x13000] =	vst v63  }
.LBB2_2:
0x22: {  	_ =	swait.ge [sflag:s16], $0x3200  }
0x23: {  	[sflag:s16] =	ssyncset.done $0x0  }
0x24: {  	s25 =	simm.s32 $0x40;
	[sflag:s16] =	ssyncadd.s32 $0xFFFFCE00  }
0x25: {  	v0 =	vld [tilespmem:s25+$0x3930]  }
0x26: {  	v1 =	vld [tilespmem:s25+$0x1FC0]  }
0x27: {  	v2 =	vld [tilespmem:s25+$0x1FD0]  }
0x28: {  	v3 =	vld [tilespmem:s25+$0x1FE0]  }
0x29: {  	v4 =	vld [tilespmem:s25+$0x1FF0]  }
0x2a: {  	v8 =	vld [tilespmem:s25+$0x2000]  }
0x2b: {  	v10 =	vld [tilespmem:s25+$0x2010]  }
0x2c: {  	v11 =	vld [tilespmem:s25+$0x2020]  }
0x2d: {  	v13 =	vld [tilespmem:s25+$0x2030]  }
0x2e: {  	v6 =	vimm.f32 $0.0e+00;
	v14 =	vld [tilespmem:s25+$0x38C0]  }
0x2f: {  	v17 =	vld [tilespmem:s25+$0x38D0];
	v0 =	vadd.f32 v0, v6  }
0x30: {  	v12 =	vadd.f32 v1, v6;
	v9 =	vadd.f32 v2, v6  }
0x31: {  	v20 =	vld [tilespmem:s25+$0x38E0];
	v7 =	vadd.f32 v3, v6;
	v5 =	vadd.f32 v4, v6  }
0x32: {  	v19 =	vld [tilespmem:s25+$0x38F0];
	v4 =	vadd.f32 v8, v6;
	v3 =	vadd.f32 v10, v6  }
0x33: {  	v18 =	vld [tilespmem:s25+$0x3900];
	v2 =	vadd.f32 v11, v6;
	v1 =	vadd.f32 v13, v6  }
0x34: {  	v16 =	vld [tilespmem:s25+$0x3910];
	v15 =	vadd.f32 v14, v6;
	v14 =	vadd.f32 v17, v6;
	v13 =	vimm.f32 $0.0e+00  }
0x35: {  	s23 =	simm.s32 $0xC0;
	s24 =	simm.s32 $0x500;
	v17 =	vld [tilespmem:s25+$0x3920];
	v11 =	vimm.f32 $0.0e+00;
	v10 =	vimm.f32 $0.0e+00;
	v8 =	vimm.f32 $0.0e+00  }
.LBB2_3:
0x36: {  	p0 =	sne.s32 s24, $0x6300;
	v21 =	vld [tilespmem:s23+$0x3930];
	v6 =	vadd.f32 v20, v6  }
0x37: {  	v20 =	vld [tilespmem:s23+$0x1FC0];
	v13 =	vadd.f32 v19, v13  }
0x38: {  	v19 =	vld [tilespmem:s23+$0x1FD0];
	v11 =	vadd.f32 v18, v11  }
0x39: {  	v18 =	vld [tilespmem:s23+$0x1FE0];
	v10 =	vadd.f32 v16, v10  }
0x3a: {  	v16 =	vld [tilespmem:s23+$0x1FF0];
	v8 =	vadd.f32 v17, v8  }
0x3b: {  	v17 =	vld [tilespmem:s23+$0x2000];
	v0 =	vadd.f32 v21, v0  }
0x3c: {  	v12 =	vadd.f32 v20, v12;
	v20 =	vld [tilespmem:s23+$0x2010]  }
0x3d: {  	v9 =	vadd.f32 v19, v9;
	v19 =	vld [tilespmem:s23+$0x2020]  }
0x3e: {  	v7 =	vadd.f32 v18, v7;
	v18 =	vld [tilespmem:s23+$0x2030]  }
0x3f: {  	v5 =	vadd.f32 v16, v5;
	v16 =	vld [tilespmem:s23+$0x38C0]  }
0x40: {  	v4 =	vadd.f32 v17, v4;
	v17 =	vld [tilespmem:s23+$0x38D0]  }
.Ltmp2:
0x41: {  	v3 =	vadd.f32 v20, v3;
	v20 =	vld [tilespmem:s23+$0x38E0];
	(pc) =	sbr.rel @p0 .LBB2_3-.Ltmp2, $4  }
0x42: {  	v2 =	vadd.f32 v19, v2;
	v19 =	vld [tilespmem:s23+$0x38F0]  }
0x43: {  	v1 =	vadd.f32 v18, v1;
	v18 =	vld [tilespmem:s23+$0x3900]  }
0x44: {  	v15 =	vadd.f32 v16, v15;
	v16 =	vld [tilespmem:s23+$0x3910]  }
0x45: {  	v14 =	vadd.f32 v17, v14;
	v17 =	vld [tilespmem:s23+$0x3920];
	s23 =	sshra.s32 s24, $0x2;
	s24 =	sadd.s32 $0x200, s24  }
0x46: {  	v21 =	vld [tilespmem:s23+$0x3930]  }
0x47: {  	v22 =	vld [tilespmem:s23+$0x1FC0]  }
0x48: {  	v23 =	vld [tilespmem:s23+$0x1FD0]  }
0x49: {  	v24 =	vld [tilespmem:s23+$0x1FE0]  }
0x4a: {  	v25 =	vld [tilespmem:s23+$0x1FF0]  }
0x4b: {  	v26 =	vld [tilespmem:s23+$0x2000]  }
0x4c: {  	v27 =	vld [tilespmem:s23+$0x2010]  }
0x4d: {  	v28 =	vld [tilespmem:s23+$0x2020]  }
0x4e: {  	v29 =	vld [tilespmem:s23+$0x2030]  }
0x4f: {  	v30 =	vld [tilespmem:s23+$0x38C0]  }
0x50: {  	v31 =	vld [tilespmem:s23+$0x38D0]  }
0x51: {  	v32 =	vld [tilespmem:s23+$0x38E0]  }
0x52: {  	v33 =	vld [tilespmem:s23+$0x38F0]  }
0x53: {  	v34 =	vld [tilespmem:s23+$0x3900]  }
0x54: {  	s24 =	sshll.u32 s22, $0xA;
	v63 =	vld [tilespmem:s23+$0x3920];
	v12 =	vadd.f32 v22, v12  }
0x55: {  	v22 =	vld [tilespmem:s23+$0x3910];
	v15 =	vadd.f32 v30, v15;
	s23 =	sand.u32 $0x3FFFFC00, s24  }
0x56: {  	v6 =	vadd.f32 v20, v6;
	v9 =	vadd.f32 v23, v9;
	[tilespmem:s23+$0xF000] =	vst v12  }
0x57: {  	v7 =	vadd.f32 v24, v7;
	[tilespmem:s23+$0xF080] =	vst v15  }
0x58: {  	v6 =	vadd.f32 v32, v6;
	[tilespmem:s23+$0xF010] =	vst v9  }
0x59: {  	v5 =	vadd.f32 v25, v5;
	[tilespmem:s23+$0xF020] =	vst v7  }
0x5a: {  	v4 =	vadd.f32 v26, v4;
	[tilespmem:s23+$0xF0A0] =	vst v6  }
0x5b: {  	v3 =	vadd.f32 v27, v3;
	[tilespmem:s23+$0xF030] =	vst v5  }
0x5c: {  	v2 =	vadd.f32 v28, v2;
	[tilespmem:s23+$0xF040] =	vst v4  }
0x5d: {  	v1 =	vadd.f32 v29, v1;
	[tilespmem:s23+$0xF050] =	vst v3  }
0x5e: {  	v0 =	vadd.f32 v21, v0;
	v9 =	vadd.f32 v19, v13;
	[tilespmem:s23+$0xF060] =	vst v2  }
0x5f: {  	v12 =	vadd.f32 v31, v14;
	v7 =	vadd.f32 v18, v11;
	[tilespmem:s23+$0xF070] =	vst v1  }
0x60: {  	v4 =	vadd.f32 v17, v8;
	[tilespmem:s23+$0xF0F0] =	vst v0;
	v9 =	vadd.f32 v33, v9  }
0x61: {  	v5 =	vadd.f32 v16, v10;
	[tilespmem:s23+$0xF090] =	vst v12;
	v6 =	vadd.f32 v34, v7  }
0x62: {  	p0 =	seq.s32 s22, $0xF;
	v3 =	vadd.f32 v63, v4;
	[tilespmem:s23+$0xF0B0] =	vst v9  }
0x63: {  	s24 =	sshll.u32 @!p0 s22, $0x9;
	v5 =	vadd.f32 v22, v5;
	[tilespmem:s23+$0xF0C0] =	vst v6  }
0x64: {  	s24 =	sand.u32 @!p0 $0x3FFFFE00, s24;
	[tilespmem:s23+$0xF0E0] =	vst v3  }
0x65: {  	s26 =	simm.s32 @!p0 $0x64;
	s28 =	simm.s32 @!p0 $0x2000;
	s25 =	sadd.s32 @!p0 $0x200, s24;
	[tilespmem:s23+$0xF0D0] =	vst v5  }
0x66: {  	[tilespmem:s28], [sflag:$0x1] =	stream.indirect.gather @!p0 [hbm4b:s2+s26], $0x80, s25, s26, $0xb8;
	[tilespmem:$0x13000] =	vst v63  }
0x67: {  	_ =	swait.ge [sflag:s17], $0x3200  }
0x68: {  	[sflag:s17] =	ssyncset.done $0x0  }
0x69: {  	s31 =	simm.s32 $0x40;
	[sflag:s17] =	ssyncadd.s32 $0xFFFFCE00  }
0x6a: {  	v0 =	vld [tilespmem:s31+$0x6D30]  }
0x6b: {  	v1 =	vld [tilespmem:s31+$0x53C0]  }
0x6c: {  	v2 =	vld [tilespmem:s31+$0x53D0]  }
0x6d: {  	v3 =	vld [tilespmem:s31+$0x53E0]  }
0x6e: {  	v4 =	vld [tilespmem:s31+$0x53F0]  }
0x6f: {  	v8 =	vld [tilespmem:s31+$0x5400]  }
0x70: {  	v10 =	vld [tilespmem:s31+$0x5410]  }
0x71: {  	v12 =	vld [tilespmem:s31+$0x5420]  }
0x72: {  	v13 =	vld [tilespmem:s31+$0x5430]  }
0x73: {  	v6 =	vimm.f32 $0.0e+00;
	v14 =	vld [tilespmem:s31+$0x6CC0]  }
0x74: {  	v17 =	vld [tilespmem:s31+$0x6CD0];
	v0 =	vadd.f32 v0, v6  }
0x75: {  	v11 =	vadd.f32 v1, v6;
	v9 =	vadd.f32 v2, v6  }
0x76: {  	v20 =	vld [tilespmem:s31+$0x6CE0];
	v7 =	vadd.f32 v3, v6;
	v5 =	vadd.f32 v4, v6  }
0x77: {  	v19 =	vld [tilespmem:s31+$0x6CF0];
	v4 =	vadd.f32 v8, v6;
	v3 =	vadd.f32 v10, v6  }
0x78: {  	v18 =	vld [tilespmem:s31+$0x6D00];
	v2 =	vadd.f32 v12, v6;
	v1 =	vadd.f32 v13, v6  }
0x79: {  	v16 =	vld [tilespmem:s31+$0x6D10];
	v15 =	vadd.f32 v14, v6;
	v14 =	vadd.f32 v17, v6;
	v13 =	vimm.f32 $0.0e+00  }
0x7a: {  	s25 =	simm.s32 $0xC0;
	s26 =	simm.s32 $0x500;
	v17 =	vld [tilespmem:s31+$0x6D20];
	v12 =	vimm.f32 $0.0e+00;
	v10 =	vimm.f32 $0.0e+00;
	v8 =	vimm.f32 $0.0e+00  }
.LBB2_5:
0x7b: {  	p1 =	sne.s32 s26, $0x6300;
	v21 =	vld [tilespmem:s25+$0x6D30];
	v6 =	vadd.f32 v20, v6  }
0x7c: {  	v20 =	vld [tilespmem:s25+$0x53C0];
	v13 =	vadd.f32 v19, v13  }
0x7d: {  	v19 =	vld [tilespmem:s25+$0x53D0];
	v12 =	vadd.f32 v18, v12  }
0x7e: {  	v18 =	vld [tilespmem:s25+$0x53E0];
	v10 =	vadd.f32 v16, v10  }
0x7f: {  	v16 =	vld [tilespmem:s25+$0x53F0];
	v8 =	vadd.f32 v17, v8  }
0x80: {  	v17 =	vld [tilespmem:s25+$0x5400];
	v0 =	vadd.f32 v21, v0  }
0x81: {  	v11 =	vadd.f32 v20, v11;
	v20 =	vld [tilespmem:s25+$0x5410]  }
0x82: {  	v9 =	vadd.f32 v19, v9;
	v19 =	vld [tilespmem:s25+$0x5420]  }
0x83: {  	v7 =	vadd.f32 v18, v7;
	v18 =	vld [tilespmem:s25+$0x5430]  }
0x84: {  	v5 =	vadd.f32 v16, v5;
	v16 =	vld [tilespmem:s25+$0x6CC0]  }
0x85: {  	v4 =	vadd.f32 v17, v4;
	v17 =	vld [tilespmem:s25+$0x6CD0]  }
.Ltmp3:
0x86: {  	v3 =	vadd.f32 v20, v3;
	v20 =	vld [tilespmem:s25+$0x6CE0];
	(pc) =	sbr.rel @p1 .LBB2_5-.Ltmp3, $4  }
0x87: {  	v2 =	vadd.f32 v19, v2;
	v19 =	vld [tilespmem:s25+$0x6CF0]  }
0x88: {  	v1 =	vadd.f32 v18, v1;
	v18 =	vld [tilespmem:s25+$0x6D00]  }
0x89: {  	v15 =	vadd.f32 v16, v15;
	v16 =	vld [tilespmem:s25+$0x6D10]  }
0x8a: {  	v14 =	vadd.f32 v17, v14;
	v17 =	vld [tilespmem:s25+$0x6D20];
	s25 =	sshra.s32 s26, $0x2;
	s26 =	sadd.s32 $0x200, s26  }
0x8b: {  	v21 =	vld [tilespmem:s25+$0x6D30]  }
0x8c: {  	v22 =	vld [tilespmem:s25+$0x53C0]  }
0x8d: {  	v23 =	vld [tilespmem:s25+$0x53D0]  }
0x8e: {  	v24 =	vld [tilespmem:s25+$0x53E0]  }
0x8f: {  	v25 =	vld [tilespmem:s25+$0x53F0]  }
0x90: {  	v26 =	vld [tilespmem:s25+$0x5400]  }
0x91: {  	v27 =	vld [tilespmem:s25+$0x5410]  }
0x92: {  	v28 =	vld [tilespmem:s25+$0x5420]  }
0x93: {  	v29 =	vld [tilespmem:s25+$0x5430]  }
0x94: {  	v30 =	vld [tilespmem:s25+$0x6CC0]  }
0x95: {  	v31 =	vld [tilespmem:s25+$0x6CD0]  }
0x96: {  	v32 =	vld [tilespmem:s25+$0x6CE0]  }
0x97: {  	v33 =	vld [tilespmem:s25+$0x6CF0]  }
0x98: {  	v34 =	vld [tilespmem:s25+$0x6D00];
	v11 =	vadd.f32 v22, v11  }
0x99: {  	v63 =	vld [tilespmem:s25+$0x6D20];
	v15 =	vadd.f32 v30, v15  }
0x9a: {  	v6 =	vadd.f32 v20, v6;
	v22 =	vld [tilespmem:s25+$0x6D10];
	v9 =	vadd.f32 v23, v9;
	[tilespmem:s23+$0xF100] =	vst v11  }
0x9b: {  	v7 =	vadd.f32 v24, v7;
	[tilespmem:s23+$0xF180] =	vst v15  }
0x9c: {  	v6 =	vadd.f32 v32, v6;
	[tilespmem:s23+$0xF110] =	vst v9  }
0x9d: {  	v5 =	vadd.f32 v25, v5;
	[tilespmem:s23+$0xF120] =	vst v7  }
0x9e: {  	v4 =	vadd.f32 v26, v4;
	[tilespmem:s23+$0xF1A0] =	vst v6  }
0x9f: {  	v3 =	vadd.f32 v27, v3;
	[tilespmem:s23+$0xF130] =	vst v5  }
0xa0: {  	v2 =	vadd.f32 v28, v2;
	[tilespmem:s23+$0xF140] =	vst v4  }
0xa1: {  	v1 =	vadd.f32 v29, v1;
	[tilespmem:s23+$0xF150] =	vst v3  }
0xa2: {  	v0 =	vadd.f32 v21, v0;
	v9 =	vadd.f32 v19, v13;
	[tilespmem:s23+$0xF160] =	vst v2  }
0xa3: {  	v11 =	vadd.f32 v31, v14;
	v7 =	vadd.f32 v18, v12;
	[tilespmem:s23+$0xF170] =	vst v1  }
0xa4: {  	v4 =	vadd.f32 v17, v8;
	[tilespmem:s23+$0xF1F0] =	vst v0;
	v9 =	vadd.f32 v33, v9  }
0xa5: {  	v5 =	vadd.f32 v16, v10;
	[tilespmem:s23+$0xF190] =	vst v11;
	v6 =	vadd.f32 v34, v7  }
0xa6: {  	v3 =	vadd.f32 v63, v4;
	[tilespmem:s23+$0xF1B0] =	vst v9  }
0xa7: {  	v5 =	vadd.f32 v22, v5;
	[tilespmem:s23+$0xF1C0] =	vst v6  }
0xa8: {  	[tilespmem:s23+$0xF1E0] =	vst v3  }
0xa9: {  	s26 =	simm.s32 @!p0 $0x64;
	s28 =	simm.s32 @!p0 $0x5400;
	s25 =	sadd.s32 @!p0 $0x280, s24;
	[tilespmem:s23+$0xF1D0] =	vst v5  }
0xaa: {  	[tilespmem:s28], [sflag:$0x2] =	stream.indirect.gather @!p0 [hbm4b:s2+s26], $0x80, s25, s26, $0xb8;
	[tilespmem:$0x13000] =	vst v63  }
0xab: {  	_ =	swait.ge [sflag:s18], $0x3200  }
0xac: {  	[sflag:s18] =	ssyncset.done $0x0  }
0xad: {  	s31 =	simm.s32 $0x40;
	[sflag:s18] =	ssyncadd.s32 $0xFFFFCE00  }
0xae: {  	v0 =	vld [tilespmem:s31+$0xA130]  }
0xaf: {  	v1 =	vld [tilespmem:s31+$0x87C0]  }
0xb0: {  	v2 =	vld [tilespmem:s31+$0x87D0]  }
0xb1: {  	v3 =	vld [tilespmem:s31+$0x87E0]  }
0xb2: {  	v4 =	vld [tilespmem:s31+$0x87F0]  }
0xb3: {  	v8 =	vld [tilespmem:s31+$0x8800]  }
0xb4: {  	v10 =	vld [tilespmem:s31+$0x8810]  }
0xb5: {  	v12 =	vld [tilespmem:s31+$0x8820]  }
0xb6: {  	v13 =	vld [tilespmem:s31+$0x8830]  }
0xb7: {  	v6 =	vimm.f32 $0.0e+00;
	v14 =	vld [tilespmem:s31+$0xA0C0]  }
0xb8: {  	v17 =	vld [tilespmem:s31+$0xA0D0];
	v0 =	vadd.f32 v0, v6  }
0xb9: {  	v11 =	vadd.f32 v1, v6;
	v9 =	vadd.f32 v2, v6  }
0xba: {  	v20 =	vld [tilespmem:s31+$0xA0E0];
	v7 =	vadd.f32 v3, v6;
	v5 =	vadd.f32 v4, v6  }
0xbb: {  	v19 =	vld [tilespmem:s31+$0xA0F0];
	v4 =	vadd.f32 v8, v6;
	v3 =	vadd.f32 v10, v6  }
0xbc: {  	v18 =	vld [tilespmem:s31+$0xA100];
	v2 =	vadd.f32 v12, v6;
	v1 =	vadd.f32 v13, v6  }
0xbd: {  	v16 =	vld [tilespmem:s31+$0xA110];
	v15 =	vadd.f32 v14, v6;
	v14 =	vadd.f32 v17, v6;
	v13 =	vimm.f32 $0.0e+00  }
0xbe: {  	s25 =	simm.s32 $0xC0;
	s26 =	simm.s32 $0x500;
	v17 =	vld [tilespmem:s31+$0xA120];
	v12 =	vimm.f32 $0.0e+00;
	v10 =	vimm.f32 $0.0e+00;
	v8 =	vimm.f32 $0.0e+00  }
.LBB2_7:
0xbf: {  	p1 =	sne.s32 s26, $0x6300;
	v21 =	vld [tilespmem:s25+$0xA130];
	v6 =	vadd.f32 v20, v6  }
0xc0: {  	v20 =	vld [tilespmem:s25+$0x87C0];
	v13 =	vadd.f32 v19, v13  }
0xc1: {  	v19 =	vld [tilespmem:s25+$0x87D0];
	v12 =	vadd.f32 v18, v12  }
0xc2: {  	v18 =	vld [tilespmem:s25+$0x87E0];
	v10 =	vadd.f32 v16, v10  }
0xc3: {  	v16 =	vld [tilespmem:s25+$0x87F0];
	v8 =	vadd.f32 v17, v8  }
0xc4: {  	v17 =	vld [tilespmem:s25+$0x8800];
	v0 =	vadd.f32 v21, v0  }
0xc5: {  	v11 =	vadd.f32 v20, v11;
	v20 =	vld [tilespmem:s25+$0x8810]  }
0xc6: {  	v9 =	vadd.f32 v19, v9;
	v19 =	vld [tilespmem:s25+$0x8820]  }
0xc7: {  	v7 =	vadd.f32 v18, v7;
	v18 =	vld [tilespmem:s25+$0x8830]  }
0xc8: {  	v5 =	vadd.f32 v16, v5;
	v16 =	vld [tilespmem:s25+$0xA0C0]  }
0xc9: {  	v4 =	vadd.f32 v17, v4;
	v17 =	vld [tilespmem:s25+$0xA0D0]  }
.Ltmp4:
0xca: {  	v3 =	vadd.f32 v20, v3;
	v20 =	vld [tilespmem:s25+$0xA0E0];
	(pc) =	sbr.rel @p1 .LBB2_7-.Ltmp4, $4  }
0xcb: {  	v2 =	vadd.f32 v19, v2;
	v19 =	vld [tilespmem:s25+$0xA0F0]  }
0xcc: {  	v1 =	vadd.f32 v18, v1;
	v18 =	vld [tilespmem:s25+$0xA100]  }
0xcd: {  	v15 =	vadd.f32 v16, v15;
	v16 =	vld [tilespmem:s25+$0xA110]  }
0xce: {  	v14 =	vadd.f32 v17, v14;
	v17 =	vld [tilespmem:s25+$0xA120];
	s25 =	sshra.s32 s26, $0x2;
	s26 =	sadd.s32 $0x200, s26  }
0xcf: {  	v21 =	vld [tilespmem:s25+$0xA130]  }
0xd0: {  	v22 =	vld [tilespmem:s25+$0x87C0]  }
0xd1: {  	v23 =	vld [tilespmem:s25+$0x87D0]  }
0xd2: {  	v24 =	vld [tilespmem:s25+$0x87E0]  }
0xd3: {  	v25 =	vld [tilespmem:s25+$0x87F0]  }
0xd4: {  	v26 =	vld [tilespmem:s25+$0x8800]  }
0xd5: {  	v27 =	vld [tilespmem:s25+$0x8810]  }
0xd6: {  	v28 =	vld [tilespmem:s25+$0x8820]  }
0xd7: {  	v29 =	vld [tilespmem:s25+$0x8830]  }
0xd8: {  	v30 =	vld [tilespmem:s25+$0xA0C0]  }
0xd9: {  	v31 =	vld [tilespmem:s25+$0xA0D0]  }
0xda: {  	v32 =	vld [tilespmem:s25+$0xA0E0]  }
0xdb: {  	v33 =	vld [tilespmem:s25+$0xA0F0]  }
0xdc: {  	v34 =	vld [tilespmem:s25+$0xA100];
	v11 =	vadd.f32 v22, v11  }
0xdd: {  	v63 =	vld [tilespmem:s25+$0xA120];
	v15 =	vadd.f32 v30, v15  }
0xde: {  	v6 =	vadd.f32 v20, v6;
	v22 =	vld [tilespmem:s25+$0xA110];
	v9 =	vadd.f32 v23, v9;
	[tilespmem:s23+$0xF200] =	vst v11  }
0xdf: {  	v7 =	vadd.f32 v24, v7;
	[tilespmem:s23+$0xF280] =	vst v15  }
0xe0: {  	v6 =	vadd.f32 v32, v6;
	[tilespmem:s23+$0xF210] =	vst v9  }
0xe1: {  	v5 =	vadd.f32 v25, v5;
	[tilespmem:s23+$0xF220] =	vst v7  }
0xe2: {  	v4 =	vadd.f32 v26, v4;
	[tilespmem:s23+$0xF2A0] =	vst v6  }
0xe3: {  	v3 =	vadd.f32 v27, v3;
	[tilespmem:s23+$0xF230] =	vst v5  }
0xe4: {  	v2 =	vadd.f32 v28, v2;
	[tilespmem:s23+$0xF240] =	vst v4  }
0xe5: {  	v1 =	vadd.f32 v29, v1;
	[tilespmem:s23+$0xF250] =	vst v3  }
0xe6: {  	v0 =	vadd.f32 v21, v0;
	v9 =	vadd.f32 v19, v13;
	[tilespmem:s23+$0xF260] =	vst v2  }
0xe7: {  	v11 =	vadd.f32 v31, v14;
	v7 =	vadd.f32 v18, v12;
	[tilespmem:s23+$0xF270] =	vst v1  }
0xe8: {  	v4 =	vadd.f32 v17, v8;
	[tilespmem:s23+$0xF2F0] =	vst v0;
	v9 =	vadd.f32 v33, v9  }
0xe9: {  	v5 =	vadd.f32 v16, v10;
	[tilespmem:s23+$0xF290] =	vst v11;
	v6 =	vadd.f32 v34, v7  }
0xea: {  	v3 =	vadd.f32 v63, v4;
	[tilespmem:s23+$0xF2B0] =	vst v9  }
0xeb: {  	v5 =	vadd.f32 v22, v5;
	[tilespmem:s23+$0xF2C0] =	vst v6  }
0xec: {  	[tilespmem:s23+$0xF2E0] =	vst v3  }
0xed: {  	s24 =	sadd.s32 @!p0 $0x300, s24;
	s26 =	simm.s32 @!p0 $0x8800;
	s25 =	simm.s32 @!p0 $0x64;
	[tilespmem:s23+$0xF2D0] =	vst v5  }
0xee: {  	[tilespmem:s26], [sflag:$0x3] =	stream.indirect.gather @!p0 [hbm4b:s2+s25], $0x80, s24, s25, $0xb8;
	[tilespmem:$0x13000] =	vst v63  }
0xef: {  	_ =	swait.ge [sflag:s19], $0x3200  }
0xf0: {  	[sflag:s19] =	ssyncset.done $0x0  }
0xf1: {  	s31 =	simm.s32 $0x40;
	[sflag:s19] =	ssyncadd.s32 $0xFFFFCE00  }
0xf2: {  	v0 =	vld [tilespmem:s31+$0xD530]  }
0xf3: {  	v1 =	vld [tilespmem:s31+$0xBBC0]  }
0xf4: {  	v2 =	vld [tilespmem:s31+$0xBBD0]  }
0xf5: {  	v3 =	vld [tilespmem:s31+$0xBBE0]  }
0xf6: {  	v4 =	vld [tilespmem:s31+$0xBBF0]  }
0xf7: {  	v8 =	vld [tilespmem:s31+$0xBC00]  }
0xf8: {  	v10 =	vld [tilespmem:s31+$0xBC10]  }
0xf9: {  	v12 =	vld [tilespmem:s31+$0xBC20]  }
0xfa: {  	v13 =	vld [tilespmem:s31+$0xBC30]  }
0xfb: {  	v6 =	vimm.f32 $0.0e+00;
	v14 =	vld [tilespmem:s31+$0xD4C0]  }
0xfc: {  	v17 =	vld [tilespmem:s31+$0xD4D0];
	v0 =	vadd.f32 v0, v6  }
0xfd: {  	v11 =	vadd.f32 v1, v6;
	v9 =	vadd.f32 v2, v6  }
0xfe: {  	v20 =	vld [tilespmem:s31+$0xD4E0];
	v7 =	vadd.f32 v3, v6;
	v5 =	vadd.f32 v4, v6  }
0xff: {  	v19 =	vld [tilespmem:s31+$0xD4F0];
	v4 =	vadd.f32 v8, v6;
	v3 =	vadd.f32 v10, v6  }
0x100: {  	v18 =	vld [tilespmem:s31+$0xD500];
	v2 =	vadd.f32 v12, v6;
	v1 =	vadd.f32 v13, v6  }
0x101: {  	v16 =	vld [tilespmem:s31+$0xD510];
	v15 =	vadd.f32 v14, v6;
	v14 =	vadd.f32 v17, v6;
	v13 =	vimm.f32 $0.0e+00  }
0x102: {  	s24 =	simm.s32 $0xC0;
	s25 =	simm.s32 $0x500;
	v17 =	vld [tilespmem:s31+$0xD520];
	v12 =	vimm.f32 $0.0e+00;
	v10 =	vimm.f32 $0.0e+00;
	v8 =	vimm.f32 $0.0e+00  }
.LBB2_9:
0x103: {  	p1 =	sne.s32 s25, $0x6300;
	v21 =	vld [tilespmem:s24+$0xD530];
	v6 =	vadd.f32 v20, v6  }
0x104: {  	v20 =	vld [tilespmem:s24+$0xBBC0];
	v13 =	vadd.f32 v19, v13  }
0x105: {  	v19 =	vld [tilespmem:s24+$0xBBD0];
	v12 =	vadd.f32 v18, v12  }
0x106: {  	v18 =	vld [tilespmem:s24+$0xBBE0];
	v10 =	vadd.f32 v16, v10  }
0x107: {  	v16 =	vld [tilespmem:s24+$0xBBF0];
	v8 =	vadd.f32 v17, v8  }
0x108: {  	v17 =	vld [tilespmem:s24+$0xBC00];
	v0 =	vadd.f32 v21, v0  }
0x109: {  	v11 =	vadd.f32 v20, v11;
	v20 =	vld [tilespmem:s24+$0xBC10]  }
0x10a: {  	v9 =	vadd.f32 v19, v9;
	v19 =	vld [tilespmem:s24+$0xBC20]  }
0x10b: {  	v7 =	vadd.f32 v18, v7;
	v18 =	vld [tilespmem:s24+$0xBC30]  }
0x10c: {  	v5 =	vadd.f32 v16, v5;
	v16 =	vld [tilespmem:s24+$0xD4C0]  }
0x10d: {  	v4 =	vadd.f32 v17, v4;
	v17 =	vld [tilespmem:s24+$0xD4D0]  }
.Ltmp5:
0x10e: {  	v3 =	vadd.f32 v20, v3;
	v20 =	vld [tilespmem:s24+$0xD4E0];
	(pc) =	sbr.rel @p1 .LBB2_9-.Ltmp5, $4  }
0x10f: {  	v2 =	vadd.f32 v19, v2;
	v19 =	vld [tilespmem:s24+$0xD4F0]  }
0x110: {  	v1 =	vadd.f32 v18, v1;
	v18 =	vld [tilespmem:s24+$0xD500]  }
0x111: {  	v15 =	vadd.f32 v16, v15;
	v16 =	vld [tilespmem:s24+$0xD510]  }
0x112: {  	v14 =	vadd.f32 v17, v14;
	v17 =	vld [tilespmem:s24+$0xD520];
	s24 =	sshra.s32 s25, $0x2;
	s25 =	sadd.s32 $0x200, s25  }
0x113: {  	v21 =	vld [tilespmem:s24+$0xD530]  }
0x114: {  	v22 =	vld [tilespmem:s24+$0xBBC0]  }
0x115: {  	v23 =	vld [tilespmem:s24+$0xBBD0]  }
0x116: {  	v24 =	vld [tilespmem:s24+$0xBBE0]  }
0x117: {  	v25 =	vld [tilespmem:s24+$0xBBF0]  }
0x118: {  	v26 =	vld [tilespmem:s24+$0xBC00]  }
0x119: {  	v27 =	vld [tilespmem:s24+$0xBC10]  }
0x11a: {  	v28 =	vld [tilespmem:s24+$0xBC20]  }
0x11b: {  	v29 =	vld [tilespmem:s24+$0xBC30]  }
0x11c: {  	v30 =	vld [tilespmem:s24+$0xD4C0]  }
0x11d: {  	v31 =	vld [tilespmem:s24+$0xD4D0]  }
0x11e: {  	v32 =	vld [tilespmem:s24+$0xD4E0]  }
0x11f: {  	v33 =	vld [tilespmem:s24+$0xD4F0]  }
0x120: {  	v34 =	vld [tilespmem:s24+$0xD500];
	v11 =	vadd.f32 v22, v11  }
0x121: {  	v55 =	vld [tilespmem:s24+$0xD510];
	v15 =	vadd.f32 v30, v15  }
0x122: {  	v56 =	vld [tilespmem:s24+$0xD520];
	v9 =	vadd.f32 v23, v9;
	[tilespmem:s23+$0xF300] =	vst v11  }
0x123: {  	v6 =	vadd.f32 v20, v6;
	v57 =	vadd.f32 v31, v14;
	[tilespmem:s23+$0xF380] =	vst v15  }
0x124: {  	v7 =	vadd.f32 v24, v7;
	[tilespmem:s23+$0xF310] =	vst v9  }
0x125: {  	v6 =	vadd.f32 v32, v6;
	[tilespmem:s23+$0xF390] =	vst v57  }
0x126: {  	v59 =	vadd.f32 v18, v12;
	v5 =	vadd.f32 v25, v5;
	[tilespmem:s23+$0xF320] =	vst v7  }
0x127: {  	v4 =	vadd.f32 v26, v4;
	[tilespmem:s23+$0xF3A0] =	vst v6  }
0x128: {  	v61 =	vadd.f32 v34, v59;
	[tilespmem:s23+$0xF330] =	vst v5  }
0x129: {  	v3 =	vadd.f32 v27, v3;
	[tilespmem:s23+$0xF340] =	vst v4  }
0x12a: {  	v2 =	vadd.f32 v28, v2;
	[tilespmem:s23+$0xF3C0] =	vst v61  }
0x12b: {  	v62 =	vadd.f32 v17, v8;
	v1 =	vadd.f32 v29, v1;
	[tilespmem:s23+$0xF350] =	vst v3  }
0x12c: {  	v58 =	vadd.f32 v19, v13;
	v0 =	vadd.f32 v21, v0;
	[tilespmem:s23+$0xF360] =	vst v2  }
.Ltmp6:
0x12d: {  	v60 =	vadd.f32 v16, v10;
	v63 =	vadd.f32 v56, v62;
	[tilespmem:s23+$0xF370] =	vst v1;
	(pc) =	sbr.rel @p0 .LBB2_12-.Ltmp6, $4  }
0x12e: {  	v9 =	vadd.f32 v33, v58;
	[tilespmem:s23+$0xF3F0] =	vst v0  }
0x12f: {  	v5 =	vadd.f32 v55, v60;
	[tilespmem:s23+$0xF3E0] =	vst v63  }
0x130: {  	[tilespmem:s23+$0xF3B0] =	vst v9  }
0x131: {  	[tilespmem:s23+$0xF3D0] =	vst v5  }
.Ltmp7:
0x132: {  	(pc) =	sbr.rel .LBB2_2-.Ltmp7, $4  }
0x133: {  	s23 =	sshll.u32 s22, $0x9  }
0x134: {  	s23 =	sand.u32 $0x3FFFFE00, s23  }
0x135: {  	s22 =	sadd.s32 $0x1, s22;
	s23 =	sadd.s32 $0x380, s23  }
0x136: {  	[tilespmem:s15], [sflag:$0x4] =	stream.indirect.gather [hbm4b:s2+s8], $0x80, s23, s8, $0xb8;
	[tilespmem:$0x13000] =	vst v63  }
.LBB2_13:
0x137: {  	_ =	sfence.sel $0x180000  }
0x138: {  	[bflag:$0x0] =	sbarrier.arrive $0xFFFF  }
0x139: {  	p0 =	sne.s32 s1, $0x0;
	_ =	strace $0x90000047  }
0x13a: {  	s0 =	sadd.s32 @!p0 $0x100000, s0;
	[bflag:$0x2] =	sbarrier.arrive $0xFFFF  }
0x13b: {  	[sflag:s0] =	ssyncadd.tile.s32 @!p0 $0x1;
	_ =	shalt  }
.Lfunc_end2:
_tile_overlayer_lowered:
.L_overlay_start_2:
0x13c: {  	(tag) =	ssettag $0x2  }
0x13d: {  	s0 =	rddreg [dreg:$0x0];
	s2 =	stileid.u32  }
0x13e: {  	s1 =	rddreg [dreg:$0x1];
	p0 =	sne.s32 s2, $0x0  }
0x13f: {  	s3 =	rddreg [dreg:$0x2];
	[bflag:$0x3] =	sbarrier.arrive $0xFFFF;
	s2 =	simm.s32 @!p0 $0x1C05  }
0x140: {  	[timem:s3], [sflag:s2] =	dma.local @!p0 [hbm:s0], s1  }
0x141: {  	s0 =	simm.s32 @!p0 $0x5  }
0x142: {  	_ =	swait.ge @!p0 [sflag:s0], s1  }
0x143: {  	s1 =	ssub.s32 @!p0 $0x0, s1;
	[sflag:s0] =	ssyncset.done @!p0 $0x0  }
0x144: {  	[sflag:s0] =	ssyncadd.s32 @!p0 s1  }
0x145: {  	[bflag:$0x3] =	sbarrier.arrive $0xFFFF  }
0x146: {  	_ =	shalt  }

</sc_bundles>
